<compile_context>
chip_gen: v7x
topology: tpu7x:2x2x1
jax: 0.10.2.dev20260603
libtpu: 0.0.44.dev20260713+nightly
codegen_flags: <defaults>
</compile_context>

<pallas_src>
import functools

import jax
import jax.numpy as jnp
from jax import lax
from jax.experimental import pallas as pl
from jax.experimental.pallas import tpu as pltpu
from jax.experimental.pallas import tpu_sc as plsc

N = 10000
E = 320000
D = 128
G = 64
EPS = 1e-5

NC = 2
NS = 16
NW = NC * NS
EPW = E // NW
K = 128
CH = 80
HCH = CH // 2
E_PAD = NW * CH * K
NP = 10240
RPS = NP // NS


@functools.cache
def _sc_kernels():
    mesh = plsc.VectorSubcoreMesh(core_axis_name="c", subcore_axis_name="s",
                                  num_cores=NC, num_subcores=NS)

    @functools.partial(
        pl.kernel,
        out_type=(jax.ShapeDtypeStruct((NP,), jnp.float32),
                  jax.ShapeDtypeStruct((NP,), jnp.float32)),
        mesh=mesh,
        scratch_types=[
            pltpu.VMEM((CH, K), jnp.int32),
            pltpu.VMEM((K,), jnp.float32),
            pltpu.VMEM_SHARED((NP,), jnp.float32),
        ],
    )
    def sc_deg(dst_hbm, ones_hbm, zdeg_hbm, out0_hbm, out1_hbm,
               dst_v, ones_v, acc):
        c = lax.axis_index("c")
        s = lax.axis_index("s")
        wid = c * NS + s
        pltpu.sync_copy(dst_hbm.at[wid], dst_v)
        pltpu.sync_copy(ones_hbm, ones_v)
        pltpu.sync_copy(zdeg_hbm, acc.at[pl.ds(s * RPS, RPS)])
        plsc.subcore_barrier()

        def step(j, carry):
            pltpu.sync_copy(ones_v, acc.at[dst_v.at[j]], add=True)
            return carry

        lax.fori_loop(0, CH, step, 0)
        plsc.subcore_barrier()

        @pl.when(c == 0)
        def _():
            pltpu.sync_copy(acc.at[pl.ds(s * RPS, RPS)],
                            out0_hbm.at[pl.ds(s * RPS, RPS)])

        @pl.when(c == 1)
        def _():
            pltpu.sync_copy(acc.at[pl.ds(s * RPS, RPS)],
                            out1_hbm.at[pl.ds(s * RPS, RPS)])

    @functools.partial(
        pl.kernel,
        out_type=jax.ShapeDtypeStruct((NC, NP, D), jnp.float32),
        mesh=mesh,
        scratch_types=[
            pltpu.VMEM((HCH, K), jnp.int32),
            pltpu.VMEM((HCH, K), jnp.int32),
            pltpu.VMEM((K, D), jnp.float32),
            pltpu.VMEM((K, D), jnp.float32),
            pltpu.SemaphoreType.DMA,
            pltpu.SemaphoreType.DMA,
            pltpu.VMEM_SHARED((NP, D), jnp.float32),
        ],
    )
    def sc_agg(hs_hbm, src_hbm, dst_hbm, zagg_hbm, out_hbm,
               src_v, dst_v, rows0, rows1, sem0, sem1, acc):
        c = lax.axis_index("c")
        s = lax.axis_index("s")
        wid = c * NS + s
        pltpu.sync_copy(zagg_hbm, acc.at[pl.ds(s * RPS, RPS)])
        plsc.subcore_barrier()

        def run_half(h):
            pltpu.sync_copy(src_hbm.at[wid, pl.ds(h * HCH, HCH)], src_v)
            pltpu.sync_copy(dst_hbm.at[wid, pl.ds(h * HCH, HCH)], dst_v)
            pltpu.async_copy(hs_hbm.at[src_v.at[0]], rows0, sem0)

            def step(t, carry):
                j = 2 * t
                pltpu.make_async_copy(hs_hbm.at[src_v.at[j]], rows0,
                                      sem0).wait()
                pltpu.async_copy(hs_hbm.at[src_v.at[j + 1]], rows1, sem1)
                pltpu.sync_copy(rows0, acc.at[dst_v.at[j]], add=True)
                pltpu.make_async_copy(hs_hbm.at[src_v.at[j + 1]], rows1,
                                      sem1).wait()
                pltpu.async_copy(hs_hbm.at[src_v.at[j + 2]], rows0, sem0)
                pltpu.sync_copy(rows1, acc.at[dst_v.at[j + 1]], add=True)
                return carry

            lax.fori_loop(0, HCH // 2 - 1, step, 0)
            jt = HCH - 2
            pltpu.make_async_copy(hs_hbm.at[src_v.at[jt]], rows0, sem0).wait()
            pltpu.async_copy(hs_hbm.at[src_v.at[HCH - 1]], rows1, sem1)
            pltpu.sync_copy(rows0, acc.at[dst_v.at[jt]], add=True)
            pltpu.make_async_copy(hs_hbm.at[src_v.at[HCH - 1]], rows1,
                                  sem1).wait()
            pltpu.sync_copy(rows1, acc.at[dst_v.at[HCH - 1]], add=True)

        run_half(0)
        run_half(1)

        plsc.subcore_barrier()
        pltpu.sync_copy(acc.at[pl.ds(s * RPS, RPS)],
                        out_hbm.at[c, pl.ds(s * RPS, RPS)])

    return sc_deg, sc_agg



def _dis_from_deg(deg0, deg1):
    d = deg0[:N] + deg1[:N] + 1.0
    return lax.rsqrt(jnp.maximum(d, 1.0))[:, None]


def _tc_dense1(x_ref, w_ref, deg0_ref, deg1_ref, out_ref):
    dis = _dis_from_deg(deg0_ref[...], deg1_ref[...])
    h = jnp.dot(x_ref[...], w_ref[...], preferred_element_type=jnp.float32)
    out_ref[...] = h * dis


def _bn_relu(agg, hs, dis, b, gamma, beta):
    h = dis * (agg[0, :N] + agg[1, :N] + hs) + b
    mean = jnp.mean(h, axis=0, keepdims=True)
    var = jnp.mean((h - mean) ** 2, axis=0, keepdims=True)
    h = (h - mean) * lax.rsqrt(var + EPS) * gamma + beta
    return jnp.maximum(h, 0.0)


def _tc_dense2(agg_ref, hs_ref, deg0_ref, deg1_ref, b_ref, g_ref, be_ref,
               w_ref, out_ref):
    dis = _dis_from_deg(deg0_ref[...], deg1_ref[...])
    h = _bn_relu(agg_ref[...], hs_ref[...], dis, b_ref[...], g_ref[...],
                 be_ref[...])
    h2 = jnp.dot(h, w_ref[...], preferred_element_type=jnp.float32)
    out_ref[...] = h2 * dis


def _tc_dense3(agg_ref, hs_ref, deg0_ref, deg1_ref, b_ref, g_ref, be_ref,
               batch_ref, out_ref):
    dis = _dis_from_deg(deg0_ref[...], deg1_ref[...])
    h = _bn_relu(agg_ref[...], hs_ref[...], dis, b_ref[...], g_ref[...],
                 be_ref[...])
    seg = lax.broadcasted_iota(jnp.int32, (N, G), 1)
    onehot = (batch_ref[...] == seg).astype(jnp.float32)
    sums = lax.dot_general(onehot, h, (((0,), (0,)), ((), ())),
                           preferred_element_type=jnp.float32)
    counts = jnp.sum(onehot, axis=0)[:, None]
    out_ref[...] = sums / jnp.maximum(counts, 1.0)



def kernel(x, edge_index, batch, W1, b1, gamma1, beta1, W2, b2, gamma2, beta2):
    pad_idx = jnp.arange(E_PAD - E, dtype=jnp.int32)
    pad_src = pad_idx % N
    pad_dst = N + (pad_idx % (NP - N))
    src = jnp.concatenate([edge_index[0], pad_src]).reshape(NW, CH, K)
    dst = jnp.concatenate([edge_index[1], pad_dst]).reshape(NW, CH, K)
    batch2 = batch.reshape(N, 1)
    b1r, g1r, be1r = b1.reshape(1, D), gamma1.reshape(1, D), beta1.reshape(1, D)
    b2r, g2r, be2r = b2.reshape(1, D), gamma2.reshape(1, D), beta2.reshape(1, D)

    ones_deg = jnp.ones((K,), jnp.float32)
    zdeg = jnp.zeros((RPS,), jnp.float32)
    zagg = jnp.zeros((RPS, D), jnp.float32)

    sc_deg, sc_agg = _sc_kernels()
    deg0, deg1 = sc_deg(dst, ones_deg, zdeg)

    hs1 = pl.pallas_call(
        _tc_dense1,
        out_shape=jax.ShapeDtypeStruct((N, D), jnp.float32),
    )(x, W1, deg0, deg1)

    agg1 = sc_agg(hs1, src, dst, zagg)

    hs2 = pl.pallas_call(
        _tc_dense2,
        out_shape=jax.ShapeDtypeStruct((N, D), jnp.float32),
    )(agg1, hs1, deg0, deg1, b1r, g1r, be1r, W2)

    agg2 = sc_agg(hs2, src, dst, zagg)

    out = pl.pallas_call(
        _tc_dense3,
        out_shape=jax.ShapeDtypeStruct((G, D), jnp.float32),
    )(agg2, hs2, deg0, deg1, b2r, g2r, be2r, batch2)

    return out

# --- scband reference (transcript-rebuilt; emitter-appended) ---
"""Pipeline reference for scband-block-encoder-2138893714287 (READ-ONLY COPY).

The authoritative reference and input builder live on the scoring server;
editing this copy changes nothing except your own understanding.
"""

import jax, jax.numpy as jnp
import numpy as np

N_NODES = 10000
N_EDGES = 320000
IN_DIM = 128
HIDDEN_DIM = 128
OUT_DIM = 128
N_GRAPHS = 64
EPS = 1e-5


def setup_inputs(seed: int = 0) -> dict:
    key = jax.random.key(seed)
    ks = jax.random.split(key, 8)
    x = jax.random.normal(ks[0], (N_NODES, IN_DIM), dtype=jnp.float32)
    edge_index = jax.random.randint(ks[1], (2, N_EDGES), 0, N_NODES, dtype=jnp.int32)
    batch = jnp.sort(jax.random.randint(ks[2], (N_NODES,), 0, N_GRAPHS, dtype=jnp.int32))
    W1 = jax.random.normal(ks[3], (IN_DIM, HIDDEN_DIM), dtype=jnp.float32) * (1.0 / np.sqrt(IN_DIM))
    b1 = jnp.zeros((HIDDEN_DIM,), dtype=jnp.float32)
    gamma1 = jnp.ones((HIDDEN_DIM,), dtype=jnp.float32)
    beta1 = jnp.zeros((HIDDEN_DIM,), dtype=jnp.float32)
    W2 = jax.random.normal(ks[4], (HIDDEN_DIM, OUT_DIM), dtype=jnp.float32) * (1.0 / np.sqrt(HIDDEN_DIM))
    b2 = jnp.zeros((OUT_DIM,), dtype=jnp.float32)
    gamma2 = jnp.ones((OUT_DIM,), dtype=jnp.float32)
    beta2 = jnp.zeros((OUT_DIM,), dtype=jnp.float32)
    return {"x": x, "edge_index": edge_index, "batch": batch,
            "W1": W1, "b1": b1, "gamma1": gamma1, "beta1": beta1,
            "W2": W2, "b2": b2, "gamma2": gamma2, "beta2": beta2}


def _gcn_conv(x, src, dst, W, b):
    n = x.shape[0]
    loops = jnp.arange(n, dtype=src.dtype)
    src2 = jnp.concatenate([src, loops])
    dst2 = jnp.concatenate([dst, loops])
    deg = jnp.zeros((n,), x.dtype).at[dst2].add(1.0)
    dis = jax.lax.rsqrt(jnp.maximum(deg, 1.0))
    h = x @ W
    norm = (dis[src2] * dis[dst2])[:, None]
    msg = jnp.take(h, src2, axis=0) * norm
    out = jnp.zeros_like(h).at[dst2].add(msg)
    return out + b


def _batch_norm(h, gamma, beta):
    mean = h.mean(axis=0)
    var = h.var(axis=0)
    return (h - mean) * jax.lax.rsqrt(var + EPS) * gamma + beta


def reference(x, edge_index, batch, W1, b1, gamma1, beta1, W2, b2, gamma2, beta2):
    src, dst = edge_index[0], edge_index[1]
    h = _gcn_conv(x, src, dst, W1, b1)
    h = _batch_norm(h, gamma1, beta1)
    h = jax.nn.relu(h)
    # dropout is identity in deterministic/eval reference
    h = _gcn_conv(h, src, dst, W2, b2)
    h = _batch_norm(h, gamma2, beta2)
    h = jax.nn.relu(h)
    sums = jax.ops.segment_sum(h, batch, num_segments=N_GRAPHS)
    counts = jax.ops.segment_sum(jnp.ones((h.shape[0],), h.dtype), batch, num_segments=N_GRAPHS)
    return sums / jnp.maximum(counts, 1.0)[:, None]

if __name__ == "__main__":
    import jax
    _d = setup_inputs()
    print(jax.jit(kernel)(*tuple(_d.values())))

</pallas_src>

<mosaic_0001>
#map = affine_map<(d0, d1) -> (0, 0)>
#map1 = affine_map<(d0, d1) -> (0, 0, 0)>
module attributes {stable_mosaic.version = 14 : i64} {
  func.func @sc_agg(%arg0: i32, %arg1: i32, %arg2: memref<10000x128xf32, #tpu.memory_space<hbm>>, %arg3: memref<32x80x128xi32, #tpu.memory_space<hbm>>, %arg4: memref<32x80x128xi32, #tpu.memory_space<hbm>>, %arg5: memref<640x128xf32, #tpu.memory_space<hbm>>, %arg6: memref<2x10240x128xf32, #tpu.memory_space<hbm>>, %arg7: memref<40x128xi32, #tpu.memory_space<vmem>>, %arg8: memref<40x128xi32, #tpu.memory_space<vmem>>, %arg9: memref<128x128xf32, #tpu.memory_space<vmem>>, %arg10: memref<128x128xf32, #tpu.memory_space<vmem>>, %arg11: memref<!tpu.dma_semaphore, #tpu.memory_space<semaphore_mem>>, %arg12: memref<!tpu.dma_semaphore, #tpu.memory_space<semaphore_mem>>, %arg13: memref<10240x128xf32, #tpu.memory_space<vmem_shared>>) attributes {dimension_semantics = [#tpu.dimension_semantics<core_parallel>, #tpu.dimension_semantics<subcore_parallel>], iteration_bounds = array<i64: 2, 16>, scalar_prefetch = 0 : i64, scratch_operands = 7 : i64, tpu.core_type = #tpu.core_type<sc_vector_subcore>, window_params = [{transform_indices = #map}, {transform_indices = #map1}, {transform_indices = #map1}, {transform_indices = #map}, {transform_indices = #map1}]} {
    %mul3A = arith.constant 16 : i32
    %mul3A_0 = arith.muli %arg0, %mul3A : i32
    %add3A = arith.addi %mul3A_0, %arg1 : i32
    %mul3A_1 = arith.constant 640 : i32
    %mul3A_2 = arith.muli %arg1, %mul3A_1 : i32
    "tpu.region"() ({
      %run_scoped3A_76 = tpu.sem_alloc : memref<!tpu.dma_semaphore, #tpu.memory_space<semaphore_mem>>
      %dma_start3A_77 = arith.constant 0 : i32
      %dma_start3A_78 = tpu.memref_slice %arg13[%mul3A_2, %dma_start3A_77] : memref<10240x128xf32, #tpu.memory_space<vmem_shared>> -> memref<640x128xf32, #tpu.memory_space<vmem_shared>>
      tpu.enqueue_dma source(%arg5 : memref<640x128xf32, #tpu.memory_space<hbm>>) target(%dma_start3A_78 : memref<640x128xf32, #tpu.memory_space<vmem_shared>>) target_semaphore(%run_scoped3A_76 : memref<!tpu.dma_semaphore, #tpu.memory_space<semaphore_mem>>)
      %dma_wait3A_79 = arith.constant 0 : i32
      %dma_wait3A_80 = tpu.memref_slice %arg13[%mul3A_2, %dma_wait3A_79] : memref<10240x128xf32, #tpu.memory_space<vmem_shared>> -> memref<640x128xf32, #tpu.memory_space<vmem_shared>>
      tpu.wait_dma2 semaphore(%run_scoped3A_76 : memref<!tpu.dma_semaphore, #tpu.memory_space<semaphore_mem>>) src(%arg5 : memref<640x128xf32, #tpu.memory_space<hbm>>) dst(%dma_wait3A_80 : memref<640x128xf32, #tpu.memory_space<vmem_shared>>)
      tpu.yield
    }) : () -> ()
    %barrier3A = arith.constant 0 : index
    tpu.barrier barrier_id(%barrier3A)
    "tpu.region"() ({
      %run_scoped3A_76 = tpu.sem_alloc : memref<!tpu.dma_semaphore, #tpu.memory_space<semaphore_mem>>
      %dma_start3A_77 = arith.constant 0 : i32
      %dma_start3A_78 = arith.constant 0 : i32
      %dma_start3A_79 = tpu.memref_slice %arg3[%add3A, %dma_start3A_77, %dma_start3A_78] : memref<32x80x128xi32, #tpu.memory_space<hbm>> -> memref<1x40x128xi32, #tpu.memory_space<hbm>>
      %dma_start3A_80 = tpu.memref_squeeze %dma_start3A_79 : memref<1x40x128xi32, #tpu.memory_space<hbm>> -> memref<40x128xi32, #tpu.memory_space<hbm>>
      %dma_start3A_81 = arith.constant 0 : i32
      %dma_start3A_82 = arith.constant 0 : i32
      %dma_start3A_83 = tpu.memref_slice %arg3[%add3A, %dma_start3A_81, %dma_start3A_82] : memref<32x80x128xi32, #tpu.memory_space<hbm>> -> memref<1x40x128xi32, #tpu.memory_space<hbm>>
      %dma_start3A_84 = tpu.memref_squeeze %dma_start3A_83 : memref<1x40x128xi32, #tpu.memory_space<hbm>> -> memref<40x128xi32, #tpu.memory_space<hbm>>
      tpu.enqueue_dma source(%dma_start3A_84 : memref<40x128xi32, #tpu.memory_space<hbm>>) target(%arg7 : memref<40x128xi32, #tpu.memory_space<vmem>>) target_semaphore(%run_scoped3A_76 : memref<!tpu.dma_semaphore, #tpu.memory_space<semaphore_mem>>)
      %dma_wait3A_85 = arith.constant 0 : i32
      %dma_wait3A_86 = arith.constant 0 : i32
      %dma_wait3A_87 = tpu.memref_slice %arg3[%add3A, %dma_wait3A_85, %dma_wait3A_86] : memref<32x80x128xi32, #tpu.memory_space<hbm>> -> memref<1x40x128xi32, #tpu.memory_space<hbm>>
      %dma_wait3A_88 = tpu.memref_squeeze %dma_wait3A_87 : memref<1x40x128xi32, #tpu.memory_space<hbm>> -> memref<40x128xi32, #tpu.memory_space<hbm>>
      %dma_wait3A_89 = arith.constant 0 : i32
      %dma_wait3A_90 = arith.constant 0 : i32
      %dma_wait3A_91 = tpu.memref_slice %arg3[%add3A, %dma_wait3A_89, %dma_wait3A_90] : memref<32x80x128xi32, #tpu.memory_space<hbm>> -> memref<1x40x128xi32, #tpu.memory_space<hbm>>
      %dma_wait3A_92 = tpu.memref_squeeze %dma_wait3A_91 : memref<1x40x128xi32, #tpu.memory_space<hbm>> -> memref<40x128xi32, #tpu.memory_space<hbm>>
      tpu.wait_dma2 semaphore(%run_scoped3A_76 : memref<!tpu.dma_semaphore, #tpu.memory_space<semaphore_mem>>) src(%dma_wait3A_92 : memref<40x128xi32, #tpu.memory_space<hbm>>) dst(%arg7 : memref<40x128xi32, #tpu.memory_space<vmem>>)
      tpu.yield
    }) : () -> ()
    "tpu.region"() ({
      %run_scoped3A_76 = tpu.sem_alloc : memref<!tpu.dma_semaphore, #tpu.memory_space<semaphore_mem>>
      %dma_start3A_77 = arith.constant 0 : i32
      %dma_start3A_78 = arith.constant 0 : i32
      %dma_start3A_79 = tpu.memref_slice %arg4[%add3A, %dma_start3A_77, %dma_start3A_78] : memref<32x80x128xi32, #tpu.memory_space<hbm>> -> memref<1x40x128xi32, #tpu.memory_space<hbm>>
      %dma_start3A_80 = tpu.memref_squeeze %dma_start3A_79 : memref<1x40x128xi32, #tpu.memory_space<hbm>> -> memref<40x128xi32, #tpu.memory_space<hbm>>
      %dma_start3A_81 = arith.constant 0 : i32
      %dma_start3A_82 = arith.constant 0 : i32
      %dma_start3A_83 = tpu.memref_slice %arg4[%add3A, %dma_start3A_81, %dma_start3A_82] : memref<32x80x128xi32, #tpu.memory_space<hbm>> -> memref<1x40x128xi32, #tpu.memory_space<hbm>>
      %dma_start3A_84 = tpu.memref_squeeze %dma_start3A_83 : memref<1x40x128xi32, #tpu.memory_space<hbm>> -> memref<40x128xi32, #tpu.memory_space<hbm>>
      tpu.enqueue_dma source(%dma_start3A_84 : memref<40x128xi32, #tpu.memory_space<hbm>>) target(%arg8 : memref<40x128xi32, #tpu.memory_space<vmem>>) target_semaphore(%run_scoped3A_76 : memref<!tpu.dma_semaphore, #tpu.memory_space<semaphore_mem>>)
      %dma_wait3A_85 = arith.constant 0 : i32
      %dma_wait3A_86 = arith.constant 0 : i32
      %dma_wait3A_87 = tpu.memref_slice %arg4[%add3A, %dma_wait3A_85, %dma_wait3A_86] : memref<32x80x128xi32, #tpu.memory_space<hbm>> -> memref<1x40x128xi32, #tpu.memory_space<hbm>>
      %dma_wait3A_88 = tpu.memref_squeeze %dma_wait3A_87 : memref<1x40x128xi32, #tpu.memory_space<hbm>> -> memref<40x128xi32, #tpu.memory_space<hbm>>
      %dma_wait3A_89 = arith.constant 0 : i32
      %dma_wait3A_90 = arith.constant 0 : i32
      %dma_wait3A_91 = tpu.memref_slice %arg4[%add3A, %dma_wait3A_89, %dma_wait3A_90] : memref<32x80x128xi32, #tpu.memory_space<hbm>> -> memref<1x40x128xi32, #tpu.memory_space<hbm>>
      %dma_wait3A_92 = tpu.memref_squeeze %dma_wait3A_91 : memref<1x40x128xi32, #tpu.memory_space<hbm>> -> memref<40x128xi32, #tpu.memory_space<hbm>>
      tpu.wait_dma2 semaphore(%run_scoped3A_76 : memref<!tpu.dma_semaphore, #tpu.memory_space<semaphore_mem>>) src(%dma_wait3A_92 : memref<40x128xi32, #tpu.memory_space<hbm>>) dst(%arg8 : memref<40x128xi32, #tpu.memory_space<vmem>>)
      tpu.yield
    }) : () -> ()
    %dma_start3A = arith.constant 0 : i32
    %dma_start3A_3 = arith.constant 0 : i32
    %dma_start3A_4 = tpu.memref_slice %arg7[%dma_start3A, %dma_start3A_3] : memref<40x128xi32, #tpu.memory_space<vmem>> -> memref<1x128xi32, #tpu.memory_space<vmem>>
    %dma_start3A_5 = tpu.memref_squeeze %dma_start3A_4 : memref<1x128xi32, #tpu.memory_space<vmem>> -> memref<128xi32, #tpu.memory_space<vmem>>
    %dma_start3A_6 = arith.constant 0 : i32
    %dma_start3A_7 = arith.constant 0 : i32
    %dma_start3A_8 = tpu.memref_slice %arg2[%dma_start3A_6, %dma_start3A_7] : memref<10000x128xf32, #tpu.memory_space<hbm>> -> memref<10000x128xf32, #tpu.memory_space<hbm>>
    tpu.enqueue_indirect_dma source(%dma_start3A_8 : memref<10000x128xf32, #tpu.memory_space<hbm>>) target(%arg9 : memref<128x128xf32, #tpu.memory_space<vmem>>) offsets(%dma_start3A_5 : memref<128xi32, #tpu.memory_space<vmem>>) semaphore(%arg11 : memref<!tpu.dma_semaphore, #tpu.memory_space<semaphore_mem>>)
    %scan3A = arith.constant 0 : i32
    %scan3A_9 = arith.constant 0 : i32
    %scan3A_10 = arith.constant 19 : i32
    %scan3A_11 = arith.addi %scan3A_9, %scan3A_10 : i32
    %scan3A_12 = arith.constant 1 : i32
    scf.for %scan3A_76 = %scan3A_9 to %scan3A_11 step %scan3A_12  : i32 {
      %mul3A_77 = arith.constant 2 : i32
      %mul3A_78 = arith.muli %mul3A_77, %scan3A_76 : i32
      %dma_wait3A_79 = arith.constant 0 : i32
      %dma_wait3A_80 = tpu.memref_slice %arg7[%mul3A_78, %dma_wait3A_79] : memref<40x128xi32, #tpu.memory_space<vmem>> -> memref<1x128xi32, #tpu.memory_space<vmem>>
      %dma_wait3A_81 = tpu.memref_squeeze %dma_wait3A_80 : memref<1x128xi32, #tpu.memory_space<vmem>> -> memref<128xi32, #tpu.memory_space<vmem>>
      %dma_wait3A_82 = arith.constant 0 : i32
      %dma_wait3A_83 = arith.constant 0 : i32
      %dma_wait3A_84 = tpu.memref_slice %arg2[%dma_wait3A_82, %dma_wait3A_83] : memref<10000x128xf32, #tpu.memory_space<hbm>> -> memref<10000x128xf32, #tpu.memory_space<hbm>>
      tpu.wait_indirect_dma semaphore(%arg11 : memref<!tpu.dma_semaphore, #tpu.memory_space<semaphore_mem>>) src(%dma_wait3A_84 : memref<10000x128xf32, #tpu.memory_space<hbm>>) dst(%arg9 : memref<128x128xf32, #tpu.memory_space<vmem>>)
      %add3A_85 = arith.constant 1 : i32
      %add3A_86 = arith.addi %mul3A_78, %add3A_85 : i32
      %dma_start3A_87 = arith.constant 0 : i32
      %dma_start3A_88 = tpu.memref_slice %arg7[%add3A_86, %dma_start3A_87] : memref<40x128xi32, #tpu.memory_space<vmem>> -> memref<1x128xi32, #tpu.memory_space<vmem>>
      %dma_start3A_89 = tpu.memref_squeeze %dma_start3A_88 : memref<1x128xi32, #tpu.memory_space<vmem>> -> memref<128xi32, #tpu.memory_space<vmem>>
      %dma_start3A_90 = arith.constant 0 : i32
      %dma_start3A_91 = arith.constant 0 : i32
      %dma_start3A_92 = tpu.memref_slice %arg2[%dma_start3A_90, %dma_start3A_91] : memref<10000x128xf32, #tpu.memory_space<hbm>> -> memref<10000x128xf32, #tpu.memory_space<hbm>>
      tpu.enqueue_indirect_dma source(%dma_start3A_92 : memref<10000x128xf32, #tpu.memory_space<hbm>>) target(%arg10 : memref<128x128xf32, #tpu.memory_space<vmem>>) offsets(%dma_start3A_89 : memref<128xi32, #tpu.memory_space<vmem>>) semaphore(%arg12 : memref<!tpu.dma_semaphore, #tpu.memory_space<semaphore_mem>>)
      "tpu.region"() ({
        %run_scoped3A_111 = tpu.sem_alloc : memref<!tpu.dma_semaphore, #tpu.memory_space<semaphore_mem>>
        %dma_start3A_112 = arith.constant 0 : i32
        %dma_start3A_113 = tpu.memref_slice %arg8[%mul3A_78, %dma_start3A_112] : memref<40x128xi32, #tpu.memory_space<vmem>> -> memref<1x128xi32, #tpu.memory_space<vmem>>
        %dma_start3A_114 = tpu.memref_squeeze %dma_start3A_113 : memref<1x128xi32, #tpu.memory_space<vmem>> -> memref<128xi32, #tpu.memory_space<vmem>>
        %dma_start3A_115 = arith.constant 0 : i32
        %dma_start3A_116 = arith.constant 0 : i32
        %dma_start3A_117 = tpu.memref_slice %arg13[%dma_start3A_115, %dma_start3A_116] : memref<10240x128xf32, #tpu.memory_space<vmem_shared>> -> memref<10240x128xf32, #tpu.memory_space<vmem_shared>>
        tpu.enqueue_indirect_dma source(%arg9 : memref<128x128xf32, #tpu.memory_space<vmem>>) target(%dma_start3A_117 : memref<10240x128xf32, #tpu.memory_space<vmem_shared>>) offsets(%dma_start3A_114 : memref<128xi32, #tpu.memory_space<vmem>>) semaphore(%run_scoped3A_111 : memref<!tpu.dma_semaphore, #tpu.memory_space<semaphore_mem>>) {add = true}
        %dma_wait3A_118 = arith.constant 0 : i32
        %dma_wait3A_119 = tpu.memref_slice %arg8[%mul3A_78, %dma_wait3A_118] : memref<40x128xi32, #tpu.memory_space<vmem>> -> memref<1x128xi32, #tpu.memory_space<vmem>>
        %dma_wait3A_120 = tpu.memref_squeeze %dma_wait3A_119 : memref<1x128xi32, #tpu.memory_space<vmem>> -> memref<128xi32, #tpu.memory_space<vmem>>
        %dma_wait3A_121 = arith.constant 0 : i32
        %dma_wait3A_122 = arith.constant 0 : i32
        %dma_wait3A_123 = tpu.memref_slice %arg13[%dma_wait3A_121, %dma_wait3A_122] : memref<10240x128xf32, #tpu.memory_space<vmem_shared>> -> memref<10240x128xf32, #tpu.memory_space<vmem_shared>>
        tpu.wait_indirect_dma semaphore(%run_scoped3A_111 : memref<!tpu.dma_semaphore, #tpu.memory_space<semaphore_mem>>) src(%arg9 : memref<128x128xf32, #tpu.memory_space<vmem>>) dst(%dma_wait3A_123 : memref<10240x128xf32, #tpu.memory_space<vmem_shared>>)
        tpu.yield
      }) : () -> ()
      %add3A_93 = arith.constant 1 : i32
      %add3A_94 = arith.addi %mul3A_78, %add3A_93 : i32
      %dma_wait3A_95 = arith.constant 0 : i32
      %dma_wait3A_96 = tpu.memref_slice %arg7[%add3A_94, %dma_wait3A_95] : memref<40x128xi32, #tpu.memory_space<vmem>> -> memref<1x128xi32, #tpu.memory_space<vmem>>
      %dma_wait3A_97 = tpu.memref_squeeze %dma_wait3A_96 : memref<1x128xi32, #tpu.memory_space<vmem>> -> memref<128xi32, #tpu.memory_space<vmem>>
      %dma_wait3A_98 = arith.constant 0 : i32
      %dma_wait3A_99 = arith.constant 0 : i32
      %dma_wait3A_100 = tpu.memref_slice %arg2[%dma_wait3A_98, %dma_wait3A_99] : memref<10000x128xf32, #tpu.memory_space<hbm>> -> memref<10000x128xf32, #tpu.memory_space<hbm>>
      tpu.wait_indirect_dma semaphore(%arg12 : memref<!tpu.dma_semaphore, #tpu.memory_space<semaphore_mem>>) src(%dma_wait3A_100 : memref<10000x128xf32, #tpu.memory_space<hbm>>) dst(%arg10 : memref<128x128xf32, #tpu.memory_space<vmem>>)
      %add3A_101 = arith.constant 2 : i32
      %add3A_102 = arith.addi %mul3A_78, %add3A_101 : i32
      %dma_start3A_103 = arith.constant 0 : i32
      %dma_start3A_104 = tpu.memref_slice %arg7[%add3A_102, %dma_start3A_103] : memref<40x128xi32, #tpu.memory_space<vmem>> -> memref<1x128xi32, #tpu.memory_space<vmem>>
      %dma_start3A_105 = tpu.memref_squeeze %dma_start3A_104 : memref<1x128xi32, #tpu.memory_space<vmem>> -> memref<128xi32, #tpu.memory_space<vmem>>
      %dma_start3A_106 = arith.constant 0 : i32
      %dma_start3A_107 = arith.constant 0 : i32
      %dma_start3A_108 = tpu.memref_slice %arg2[%dma_start3A_106, %dma_start3A_107] : memref<10000x128xf32, #tpu.memory_space<hbm>> -> memref<10000x128xf32, #tpu.memory_space<hbm>>
      tpu.enqueue_indirect_dma source(%dma_start3A_108 : memref<10000x128xf32, #tpu.memory_space<hbm>>) target(%arg9 : memref<128x128xf32, #tpu.memory_space<vmem>>) offsets(%dma_start3A_105 : memref<128xi32, #tpu.memory_space<vmem>>) semaphore(%arg11 : memref<!tpu.dma_semaphore, #tpu.memory_space<semaphore_mem>>)
      %add3A_109 = arith.constant 1 : i32
      %add3A_110 = arith.addi %mul3A_78, %add3A_109 : i32
      "tpu.region"() ({
        %run_scoped3A_111 = tpu.sem_alloc : memref<!tpu.dma_semaphore, #tpu.memory_space<semaphore_mem>>
        %dma_start3A_112 = arith.constant 0 : i32
        %dma_start3A_113 = tpu.memref_slice %arg8[%add3A_110, %dma_start3A_112] : memref<40x128xi32, #tpu.memory_space<vmem>> -> memref<1x128xi32, #tpu.memory_space<vmem>>
        %dma_start3A_114 = tpu.memref_squeeze %dma_start3A_113 : memref<1x128xi32, #tpu.memory_space<vmem>> -> memref<128xi32, #tpu.memory_space<vmem>>
        %dma_start3A_115 = arith.constant 0 : i32
        %dma_start3A_116 = arith.constant 0 : i32
        %dma_start3A_117 = tpu.memref_slice %arg13[%dma_start3A_115, %dma_start3A_116] : memref<10240x128xf32, #tpu.memory_space<vmem_shared>> -> memref<10240x128xf32, #tpu.memory_space<vmem_shared>>
        tpu.enqueue_indirect_dma source(%arg10 : memref<128x128xf32, #tpu.memory_space<vmem>>) target(%dma_start3A_117 : memref<10240x128xf32, #tpu.memory_space<vmem_shared>>) offsets(%dma_start3A_114 : memref<128xi32, #tpu.memory_space<vmem>>) semaphore(%run_scoped3A_111 : memref<!tpu.dma_semaphore, #tpu.memory_space<semaphore_mem>>) {add = true}
        %dma_wait3A_118 = arith.constant 0 : i32
        %dma_wait3A_119 = tpu.memref_slice %arg8[%add3A_110, %dma_wait3A_118] : memref<40x128xi32, #tpu.memory_space<vmem>> -> memref<1x128xi32, #tpu.memory_space<vmem>>
        %dma_wait3A_120 = tpu.memref_squeeze %dma_wait3A_119 : memref<1x128xi32, #tpu.memory_space<vmem>> -> memref<128xi32, #tpu.memory_space<vmem>>
        %dma_wait3A_121 = arith.constant 0 : i32
        %dma_wait3A_122 = arith.constant 0 : i32
        %dma_wait3A_123 = tpu.memref_slice %arg13[%dma_wait3A_121, %dma_wait3A_122] : memref<10240x128xf32, #tpu.memory_space<vmem_shared>> -> memref<10240x128xf32, #tpu.memory_space<vmem_shared>>
        tpu.wait_indirect_dma semaphore(%run_scoped3A_111 : memref<!tpu.dma_semaphore, #tpu.memory_space<semaphore_mem>>) src(%arg10 : memref<128x128xf32, #tpu.memory_space<vmem>>) dst(%dma_wait3A_123 : memref<10240x128xf32, #tpu.memory_space<vmem_shared>>)
        tpu.yield
      }) : () -> ()
    }
    %scan3A_13 = arith.constant 19 : i32
    %dma_wait3A = arith.constant 38 : i32
    %dma_wait3A_14 = arith.constant 0 : i32
    %dma_wait3A_15 = tpu.memref_slice %arg7[%dma_wait3A, %dma_wait3A_14] : memref<40x128xi32, #tpu.memory_space<vmem>> -> memref<1x128xi32, #tpu.memory_space<vmem>>
    %dma_wait3A_16 = tpu.memref_squeeze %dma_wait3A_15 : memref<1x128xi32, #tpu.memory_space<vmem>> -> memref<128xi32, #tpu.memory_space<vmem>>
    %dma_wait3A_17 = arith.constant 0 : i32
    %dma_wait3A_18 = arith.constant 0 : i32
    %dma_wait3A_19 = tpu.memref_slice %arg2[%dma_wait3A_17, %dma_wait3A_18] : memref<10000x128xf32, #tpu.memory_space<hbm>> -> memref<10000x128xf32, #tpu.memory_space<hbm>>
    tpu.wait_indirect_dma semaphore(%arg11 : memref<!tpu.dma_semaphore, #tpu.memory_space<semaphore_mem>>) src(%dma_wait3A_19 : memref<10000x128xf32, #tpu.memory_space<hbm>>) dst(%arg9 : memref<128x128xf32, #tpu.memory_space<vmem>>)
    %dma_start3A_20 = arith.constant 39 : i32
    %dma_start3A_21 = arith.constant 0 : i32
    %dma_start3A_22 = tpu.memref_slice %arg7[%dma_start3A_20, %dma_start3A_21] : memref<40x128xi32, #tpu.memory_space<vmem>> -> memref<1x128xi32, #tpu.memory_space<vmem>>
    %dma_start3A_23 = tpu.memref_squeeze %dma_start3A_22 : memref<1x128xi32, #tpu.memory_space<vmem>> -> memref<128xi32, #tpu.memory_space<vmem>>
    %dma_start3A_24 = arith.constant 0 : i32
    %dma_start3A_25 = arith.constant 0 : i32
    %dma_start3A_26 = tpu.memref_slice %arg2[%dma_start3A_24, %dma_start3A_25] : memref<10000x128xf32, #tpu.memory_space<hbm>> -> memref<10000x128xf32, #tpu.memory_space<hbm>>
    tpu.enqueue_indirect_dma source(%dma_start3A_26 : memref<10000x128xf32, #tpu.memory_space<hbm>>) target(%arg10 : memref<128x128xf32, #tpu.memory_space<vmem>>) offsets(%dma_start3A_23 : memref<128xi32, #tpu.memory_space<vmem>>) semaphore(%arg12 : memref<!tpu.dma_semaphore, #tpu.memory_space<semaphore_mem>>)
    %run_scoped3A = arith.constant 38 : i32
    "tpu.region"() ({
      %run_scoped3A_76 = tpu.sem_alloc : memref<!tpu.dma_semaphore, #tpu.memory_space<semaphore_mem>>
      %dma_start3A_77 = arith.constant 0 : i32
      %dma_start3A_78 = tpu.memref_slice %arg8[%run_scoped3A, %dma_start3A_77] : memref<40x128xi32, #tpu.memory_space<vmem>> -> memref<1x128xi32, #tpu.memory_space<vmem>>
      %dma_start3A_79 = tpu.memref_squeeze %dma_start3A_78 : memref<1x128xi32, #tpu.memory_space<vmem>> -> memref<128xi32, #tpu.memory_space<vmem>>
      %dma_start3A_80 = arith.constant 0 : i32
      %dma_start3A_81 = arith.constant 0 : i32
      %dma_start3A_82 = tpu.memref_slice %arg13[%dma_start3A_80, %dma_start3A_81] : memref<10240x128xf32, #tpu.memory_space<vmem_shared>> -> memref<10240x128xf32, #tpu.memory_space<vmem_shared>>
      tpu.enqueue_indirect_dma source(%arg9 : memref<128x128xf32, #tpu.memory_space<vmem>>) target(%dma_start3A_82 : memref<10240x128xf32, #tpu.memory_space<vmem_shared>>) offsets(%dma_start3A_79 : memref<128xi32, #tpu.memory_space<vmem>>) semaphore(%run_scoped3A_76 : memref<!tpu.dma_semaphore, #tpu.memory_space<semaphore_mem>>) {add = true}
      %dma_wait3A_83 = arith.constant 0 : i32
      %dma_wait3A_84 = tpu.memref_slice %arg8[%run_scoped3A, %dma_wait3A_83] : memref<40x128xi32, #tpu.memory_space<vmem>> -> memref<1x128xi32, #tpu.memory_space<vmem>>
      %dma_wait3A_85 = tpu.memref_squeeze %dma_wait3A_84 : memref<1x128xi32, #tpu.memory_space<vmem>> -> memref<128xi32, #tpu.memory_space<vmem>>
      %dma_wait3A_86 = arith.constant 0 : i32
      %dma_wait3A_87 = arith.constant 0 : i32
      %dma_wait3A_88 = tpu.memref_slice %arg13[%dma_wait3A_86, %dma_wait3A_87] : memref<10240x128xf32, #tpu.memory_space<vmem_shared>> -> memref<10240x128xf32, #tpu.memory_space<vmem_shared>>
      tpu.wait_indirect_dma semaphore(%run_scoped3A_76 : memref<!tpu.dma_semaphore, #tpu.memory_space<semaphore_mem>>) src(%arg9 : memref<128x128xf32, #tpu.memory_space<vmem>>) dst(%dma_wait3A_88 : memref<10240x128xf32, #tpu.memory_space<vmem_shared>>)
      tpu.yield
    }) : () -> ()
    %dma_wait3A_27 = arith.constant 39 : i32
    %dma_wait3A_28 = arith.constant 0 : i32
    %dma_wait3A_29 = tpu.memref_slice %arg7[%dma_wait3A_27, %dma_wait3A_28] : memref<40x128xi32, #tpu.memory_space<vmem>> -> memref<1x128xi32, #tpu.memory_space<vmem>>
    %dma_wait3A_30 = tpu.memref_squeeze %dma_wait3A_29 : memref<1x128xi32, #tpu.memory_space<vmem>> -> memref<128xi32, #tpu.memory_space<vmem>>
    %dma_wait3A_31 = arith.constant 0 : i32
    %dma_wait3A_32 = arith.constant 0 : i32
    %dma_wait3A_33 = tpu.memref_slice %arg2[%dma_wait3A_31, %dma_wait3A_32] : memref<10000x128xf32, #tpu.memory_space<hbm>> -> memref<10000x128xf32, #tpu.memory_space<hbm>>
    tpu.wait_indirect_dma semaphore(%arg12 : memref<!tpu.dma_semaphore, #tpu.memory_space<semaphore_mem>>) src(%dma_wait3A_33 : memref<10000x128xf32, #tpu.memory_space<hbm>>) dst(%arg10 : memref<128x128xf32, #tpu.memory_space<vmem>>)
    %run_scoped3A_34 = arith.constant 39 : i32
    "tpu.region"() ({
      %run_scoped3A_76 = tpu.sem_alloc : memref<!tpu.dma_semaphore, #tpu.memory_space<semaphore_mem>>
      %dma_start3A_77 = arith.constant 0 : i32
      %dma_start3A_78 = tpu.memref_slice %arg8[%run_scoped3A_34, %dma_start3A_77] : memref<40x128xi32, #tpu.memory_space<vmem>> -> memref<1x128xi32, #tpu.memory_space<vmem>>
      %dma_start3A_79 = tpu.memref_squeeze %dma_start3A_78 : memref<1x128xi32, #tpu.memory_space<vmem>> -> memref<128xi32, #tpu.memory_space<vmem>>
      %dma_start3A_80 = arith.constant 0 : i32
      %dma_start3A_81 = arith.constant 0 : i32
      %dma_start3A_82 = tpu.memref_slice %arg13[%dma_start3A_80, %dma_start3A_81] : memref<10240x128xf32, #tpu.memory_space<vmem_shared>> -> memref<10240x128xf32, #tpu.memory_space<vmem_shared>>
      tpu.enqueue_indirect_dma source(%arg10 : memref<128x128xf32, #tpu.memory_space<vmem>>) target(%dma_start3A_82 : memref<10240x128xf32, #tpu.memory_space<vmem_shared>>) offsets(%dma_start3A_79 : memref<128xi32, #tpu.memory_space<vmem>>) semaphore(%run_scoped3A_76 : memref<!tpu.dma_semaphore, #tpu.memory_space<semaphore_mem>>) {add = true}
      %dma_wait3A_83 = arith.constant 0 : i32
      %dma_wait3A_84 = tpu.memref_slice %arg8[%run_scoped3A_34, %dma_wait3A_83] : memref<40x128xi32, #tpu.memory_space<vmem>> -> memref<1x128xi32, #tpu.memory_space<vmem>>
      %dma_wait3A_85 = tpu.memref_squeeze %dma_wait3A_84 : memref<1x128xi32, #tpu.memory_space<vmem>> -> memref<128xi32, #tpu.memory_space<vmem>>
      %dma_wait3A_86 = arith.constant 0 : i32
      %dma_wait3A_87 = arith.constant 0 : i32
      %dma_wait3A_88 = tpu.memref_slice %arg13[%dma_wait3A_86, %dma_wait3A_87] : memref<10240x128xf32, #tpu.memory_space<vmem_shared>> -> memref<10240x128xf32, #tpu.memory_space<vmem_shared>>
      tpu.wait_indirect_dma semaphore(%run_scoped3A_76 : memref<!tpu.dma_semaphore, #tpu.memory_space<semaphore_mem>>) src(%arg10 : memref<128x128xf32, #tpu.memory_space<vmem>>) dst(%dma_wait3A_88 : memref<10240x128xf32, #tpu.memory_space<vmem_shared>>)
      tpu.yield
    }) : () -> ()
    "tpu.region"() ({
      %run_scoped3A_76 = tpu.sem_alloc : memref<!tpu.dma_semaphore, #tpu.memory_space<semaphore_mem>>
      %dma_start3A_77 = arith.constant 40 : i32
      %dma_start3A_78 = arith.constant 0 : i32
      %dma_start3A_79 = tpu.memref_slice %arg3[%add3A, %dma_start3A_77, %dma_start3A_78] : memref<32x80x128xi32, #tpu.memory_space<hbm>> -> memref<1x40x128xi32, #tpu.memory_space<hbm>>
      %dma_start3A_80 = tpu.memref_squeeze %dma_start3A_79 : memref<1x40x128xi32, #tpu.memory_space<hbm>> -> memref<40x128xi32, #tpu.memory_space<hbm>>
      %dma_start3A_81 = arith.constant 40 : i32
      %dma_start3A_82 = arith.constant 0 : i32
      %dma_start3A_83 = tpu.memref_slice %arg3[%add3A, %dma_start3A_81, %dma_start3A_82] : memref<32x80x128xi32, #tpu.memory_space<hbm>> -> memref<1x40x128xi32, #tpu.memory_space<hbm>>
      %dma_start3A_84 = tpu.memref_squeeze %dma_start3A_83 : memref<1x40x128xi32, #tpu.memory_space<hbm>> -> memref<40x128xi32, #tpu.memory_space<hbm>>
      tpu.enqueue_dma source(%dma_start3A_84 : memref<40x128xi32, #tpu.memory_space<hbm>>) target(%arg7 : memref<40x128xi32, #tpu.memory_space<vmem>>) target_semaphore(%run_scoped3A_76 : memref<!tpu.dma_semaphore, #tpu.memory_space<semaphore_mem>>)
      %dma_wait3A_85 = arith.constant 40 : i32
      %dma_wait3A_86 = arith.constant 0 : i32
      %dma_wait3A_87 = tpu.memref_slice %arg3[%add3A, %dma_wait3A_85, %dma_wait3A_86] : memref<32x80x128xi32, #tpu.memory_space<hbm>> -> memref<1x40x128xi32, #tpu.memory_space<hbm>>
      %dma_wait3A_88 = tpu.memref_squeeze %dma_wait3A_87 : memref<1x40x128xi32, #tpu.memory_space<hbm>> -> memref<40x128xi32, #tpu.memory_space<hbm>>
      %dma_wait3A_89 = arith.constant 40 : i32
      %dma_wait3A_90 = arith.constant 0 : i32
      %dma_wait3A_91 = tpu.memref_slice %arg3[%add3A, %dma_wait3A_89, %dma_wait3A_90] : memref<32x80x128xi32, #tpu.memory_space<hbm>> -> memref<1x40x128xi32, #tpu.memory_space<hbm>>
      %dma_wait3A_92 = tpu.memref_squeeze %dma_wait3A_91 : memref<1x40x128xi32, #tpu.memory_space<hbm>> -> memref<40x128xi32, #tpu.memory_space<hbm>>
      tpu.wait_dma2 semaphore(%run_scoped3A_76 : memref<!tpu.dma_semaphore, #tpu.memory_space<semaphore_mem>>) src(%dma_wait3A_92 : memref<40x128xi32, #tpu.memory_space<hbm>>) dst(%arg7 : memref<40x128xi32, #tpu.memory_space<vmem>>)
      tpu.yield
    }) : () -> ()
    "tpu.region"() ({
      %run_scoped3A_76 = tpu.sem_alloc : memref<!tpu.dma_semaphore, #tpu.memory_space<semaphore_mem>>
      %dma_start3A_77 = arith.constant 40 : i32
      %dma_start3A_78 = arith.constant 0 : i32
      %dma_start3A_79 = tpu.memref_slice %arg4[%add3A, %dma_start3A_77, %dma_start3A_78] : memref<32x80x128xi32, #tpu.memory_space<hbm>> -> memref<1x40x128xi32, #tpu.memory_space<hbm>>
      %dma_start3A_80 = tpu.memref_squeeze %dma_start3A_79 : memref<1x40x128xi32, #tpu.memory_space<hbm>> -> memref<40x128xi32, #tpu.memory_space<hbm>>
      %dma_start3A_81 = arith.constant 40 : i32
      %dma_start3A_82 = arith.constant 0 : i32
      %dma_start3A_83 = tpu.memref_slice %arg4[%add3A, %dma_start3A_81, %dma_start3A_82] : memref<32x80x128xi32, #tpu.memory_space<hbm>> -> memref<1x40x128xi32, #tpu.memory_space<hbm>>
      %dma_start3A_84 = tpu.memref_squeeze %dma_start3A_83 : memref<1x40x128xi32, #tpu.memory_space<hbm>> -> memref<40x128xi32, #tpu.memory_space<hbm>>
      tpu.enqueue_dma source(%dma_start3A_84 : memref<40x128xi32, #tpu.memory_space<hbm>>) target(%arg8 : memref<40x128xi32, #tpu.memory_space<vmem>>) target_semaphore(%run_scoped3A_76 : memref<!tpu.dma_semaphore, #tpu.memory_space<semaphore_mem>>)
      %dma_wait3A_85 = arith.constant 40 : i32
      %dma_wait3A_86 = arith.constant 0 : i32
      %dma_wait3A_87 = tpu.memref_slice %arg4[%add3A, %dma_wait3A_85, %dma_wait3A_86] : memref<32x80x128xi32, #tpu.memory_space<hbm>> -> memref<1x40x128xi32, #tpu.memory_space<hbm>>
      %dma_wait3A_88 = tpu.memref_squeeze %dma_wait3A_87 : memref<1x40x128xi32, #tpu.memory_space<hbm>> -> memref<40x128xi32, #tpu.memory_space<hbm>>
      %dma_wait3A_89 = arith.constant 40 : i32
      %dma_wait3A_90 = arith.constant 0 : i32
      %dma_wait3A_91 = tpu.memref_slice %arg4[%add3A, %dma_wait3A_89, %dma_wait3A_90] : memref<32x80x128xi32, #tpu.memory_space<hbm>> -> memref<1x40x128xi32, #tpu.memory_space<hbm>>
      %dma_wait3A_92 = tpu.memref_squeeze %dma_wait3A_91 : memref<1x40x128xi32, #tpu.memory_space<hbm>> -> memref<40x128xi32, #tpu.memory_space<hbm>>
      tpu.wait_dma2 semaphore(%run_scoped3A_76 : memref<!tpu.dma_semaphore, #tpu.memory_space<semaphore_mem>>) src(%dma_wait3A_92 : memref<40x128xi32, #tpu.memory_space<hbm>>) dst(%arg8 : memref<40x128xi32, #tpu.memory_space<vmem>>)
      tpu.yield
    }) : () -> ()
    %dma_start3A_35 = arith.constant 0 : i32
    %dma_start3A_36 = arith.constant 0 : i32
    %dma_start3A_37 = tpu.memref_slice %arg7[%dma_start3A_35, %dma_start3A_36] : memref<40x128xi32, #tpu.memory_space<vmem>> -> memref<1x128xi32, #tpu.memory_space<vmem>>
    %dma_start3A_38 = tpu.memref_squeeze %dma_start3A_37 : memref<1x128xi32, #tpu.memory_space<vmem>> -> memref<128xi32, #tpu.memory_space<vmem>>
    %dma_start3A_39 = arith.constant 0 : i32
    %dma_start3A_40 = arith.constant 0 : i32
    %dma_start3A_41 = tpu.memref_slice %arg2[%dma_start3A_39, %dma_start3A_40] : memref<10000x128xf32, #tpu.memory_space<hbm>> -> memref<10000x128xf32, #tpu.memory_space<hbm>>
    tpu.enqueue_indirect_dma source(%dma_start3A_41 : memref<10000x128xf32, #tpu.memory_space<hbm>>) target(%arg9 : memref<128x128xf32, #tpu.memory_space<vmem>>) offsets(%dma_start3A_38 : memref<128xi32, #tpu.memory_space<vmem>>) semaphore(%arg11 : memref<!tpu.dma_semaphore, #tpu.memory_space<semaphore_mem>>)
    %scan3A_42 = arith.constant 0 : i32
    %scan3A_43 = arith.constant 0 : i32
    %scan3A_44 = arith.constant 19 : i32
    %scan3A_45 = arith.addi %scan3A_43, %scan3A_44 : i32
    %scan3A_46 = arith.constant 1 : i32
    scf.for %scan3A_76 = %scan3A_43 to %scan3A_45 step %scan3A_46  : i32 {
      %mul3A_77 = arith.constant 2 : i32
      %mul3A_78 = arith.muli %mul3A_77, %scan3A_76 : i32
      %dma_wait3A_79 = arith.constant 0 : i32
      %dma_wait3A_80 = tpu.memref_slice %arg7[%mul3A_78, %dma_wait3A_79] : memref<40x128xi32, #tpu.memory_space<vmem>> -> memref<1x128xi32, #tpu.memory_space<vmem>>
      %dma_wait3A_81 = tpu.memref_squeeze %dma_wait3A_80 : memref<1x128xi32, #tpu.memory_space<vmem>> -> memref<128xi32, #tpu.memory_space<vmem>>
      %dma_wait3A_82 = arith.constant 0 : i32
      %dma_wait3A_83 = arith.constant 0 : i32
      %dma_wait3A_84 = tpu.memref_slice %arg2[%dma_wait3A_82, %dma_wait3A_83] : memref<10000x128xf32, #tpu.memory_space<hbm>> -> memref<10000x128xf32, #tpu.memory_space<hbm>>
      tpu.wait_indirect_dma semaphore(%arg11 : memref<!tpu.dma_semaphore, #tpu.memory_space<semaphore_mem>>) src(%dma_wait3A_84 : memref<10000x128xf32, #tpu.memory_space<hbm>>) dst(%arg9 : memref<128x128xf32, #tpu.memory_space<vmem>>)
      %add3A_85 = arith.constant 1 : i32
      %add3A_86 = arith.addi %mul3A_78, %add3A_85 : i32
      %dma_start3A_87 = arith.constant 0 : i32
      %dma_start3A_88 = tpu.memref_slice %arg7[%add3A_86, %dma_start3A_87] : memref<40x128xi32, #tpu.memory_space<vmem>> -> memref<1x128xi32, #tpu.memory_space<vmem>>
      %dma_start3A_89 = tpu.memref_squeeze %dma_start3A_88 : memref<1x128xi32, #tpu.memory_space<vmem>> -> memref<128xi32, #tpu.memory_space<vmem>>
      %dma_start3A_90 = arith.constant 0 : i32
      %dma_start3A_91 = arith.constant 0 : i32
      %dma_start3A_92 = tpu.memref_slice %arg2[%dma_start3A_90, %dma_start3A_91] : memref<10000x128xf32, #tpu.memory_space<hbm>> -> memref<10000x128xf32, #tpu.memory_space<hbm>>
      tpu.enqueue_indirect_dma source(%dma_start3A_92 : memref<10000x128xf32, #tpu.memory_space<hbm>>) target(%arg10 : memref<128x128xf32, #tpu.memory_space<vmem>>) offsets(%dma_start3A_89 : memref<128xi32, #tpu.memory_space<vmem>>) semaphore(%arg12 : memref<!tpu.dma_semaphore, #tpu.memory_space<semaphore_mem>>)
      "tpu.region"() ({
        %run_scoped3A_111 = tpu.sem_alloc : memref<!tpu.dma_semaphore, #tpu.memory_space<semaphore_mem>>
        %dma_start3A_112 = arith.constant 0 : i32
        %dma_start3A_113 = tpu.memref_slice %arg8[%mul3A_78, %dma_start3A_112] : memref<40x128xi32, #tpu.memory_space<vmem>> -> memref<1x128xi32, #tpu.memory_space<vmem>>
        %dma_start3A_114 = tpu.memref_squeeze %dma_start3A_113 : memref<1x128xi32, #tpu.memory_space<vmem>> -> memref<128xi32, #tpu.memory_space<vmem>>
        %dma_start3A_115 = arith.constant 0 : i32
        %dma_start3A_116 = arith.constant 0 : i32
        %dma_start3A_117 = tpu.memref_slice %arg13[%dma_start3A_115, %dma_start3A_116] : memref<10240x128xf32, #tpu.memory_space<vmem_shared>> -> memref<10240x128xf32, #tpu.memory_space<vmem_shared>>
        tpu.enqueue_indirect_dma source(%arg9 : memref<128x128xf32, #tpu.memory_space<vmem>>) target(%dma_start3A_117 : memref<10240x128xf32, #tpu.memory_space<vmem_shared>>) offsets(%dma_start3A_114 : memref<128xi32, #tpu.memory_space<vmem>>) semaphore(%run_scoped3A_111 : memref<!tpu.dma_semaphore, #tpu.memory_space<semaphore_mem>>) {add = true}
        %dma_wait3A_118 = arith.constant 0 : i32
        %dma_wait3A_119 = tpu.memref_slice %arg8[%mul3A_78, %dma_wait3A_118] : memref<40x128xi32, #tpu.memory_space<vmem>> -> memref<1x128xi32, #tpu.memory_space<vmem>>
        %dma_wait3A_120 = tpu.memref_squeeze %dma_wait3A_119 : memref<1x128xi32, #tpu.memory_space<vmem>> -> memref<128xi32, #tpu.memory_space<vmem>>
        %dma_wait3A_121 = arith.constant 0 : i32
        %dma_wait3A_122 = arith.constant 0 : i32
        %dma_wait3A_123 = tpu.memref_slice %arg13[%dma_wait3A_121, %dma_wait3A_122] : memref<10240x128xf32, #tpu.memory_space<vmem_shared>> -> memref<10240x128xf32, #tpu.memory_space<vmem_shared>>
        tpu.wait_indirect_dma semaphore(%run_scoped3A_111 : memref<!tpu.dma_semaphore, #tpu.memory_space<semaphore_mem>>) src(%arg9 : memref<128x128xf32, #tpu.memory_space<vmem>>) dst(%dma_wait3A_123 : memref<10240x128xf32, #tpu.memory_space<vmem_shared>>)
        tpu.yield
      }) : () -> ()
      %add3A_93 = arith.constant 1 : i32
      %add3A_94 = arith.addi %mul3A_78, %add3A_93 : i32
      %dma_wait3A_95 = arith.constant 0 : i32
      %dma_wait3A_96 = tpu.memref_slice %arg7[%add3A_94, %dma_wait3A_95] : memref<40x128xi32, #tpu.memory_space<vmem>> -> memref<1x128xi32, #tpu.memory_space<vmem>>
      %dma_wait3A_97 = tpu.memref_squeeze %dma_wait3A_96 : memref<1x128xi32, #tpu.memory_space<vmem>> -> memref<128xi32, #tpu.memory_space<vmem>>
      %dma_wait3A_98 = arith.constant 0 : i32
      %dma_wait3A_99 = arith.constant 0 : i32
      %dma_wait3A_100 = tpu.memref_slice %arg2[%dma_wait3A_98, %dma_wait3A_99] : memref<10000x128xf32, #tpu.memory_space<hbm>> -> memref<10000x128xf32, #tpu.memory_space<hbm>>
      tpu.wait_indirect_dma semaphore(%arg12 : memref<!tpu.dma_semaphore, #tpu.memory_space<semaphore_mem>>) src(%dma_wait3A_100 : memref<10000x128xf32, #tpu.memory_space<hbm>>) dst(%arg10 : memref<128x128xf32, #tpu.memory_space<vmem>>)
      %add3A_101 = arith.constant 2 : i32
      %add3A_102 = arith.addi %mul3A_78, %add3A_101 : i32
      %dma_start3A_103 = arith.constant 0 : i32
      %dma_start3A_104 = tpu.memref_slice %arg7[%add3A_102, %dma_start3A_103] : memref<40x128xi32, #tpu.memory_space<vmem>> -> memref<1x128xi32, #tpu.memory_space<vmem>>
      %dma_start3A_105 = tpu.memref_squeeze %dma_start3A_104 : memref<1x128xi32, #tpu.memory_space<vmem>> -> memref<128xi32, #tpu.memory_space<vmem>>
      %dma_start3A_106 = arith.constant 0 : i32
      %dma_start3A_107 = arith.constant 0 : i32
      %dma_start3A_108 = tpu.memref_slice %arg2[%dma_start3A_106, %dma_start3A_107] : memref<10000x128xf32, #tpu.memory_space<hbm>> -> memref<10000x128xf32, #tpu.memory_space<hbm>>
      tpu.enqueue_indirect_dma source(%dma_start3A_108 : memref<10000x128xf32, #tpu.memory_space<hbm>>) target(%arg9 : memref<128x128xf32, #tpu.memory_space<vmem>>) offsets(%dma_start3A_105 : memref<128xi32, #tpu.memory_space<vmem>>) semaphore(%arg11 : memref<!tpu.dma_semaphore, #tpu.memory_space<semaphore_mem>>)
      %add3A_109 = arith.constant 1 : i32
      %add3A_110 = arith.addi %mul3A_78, %add3A_109 : i32
      "tpu.region"() ({
        %run_scoped3A_111 = tpu.sem_alloc : memref<!tpu.dma_semaphore, #tpu.memory_space<semaphore_mem>>
        %dma_start3A_112 = arith.constant 0 : i32
        %dma_start3A_113 = tpu.memref_slice %arg8[%add3A_110, %dma_start3A_112] : memref<40x128xi32, #tpu.memory_space<vmem>> -> memref<1x128xi32, #tpu.memory_space<vmem>>
        %dma_start3A_114 = tpu.memref_squeeze %dma_start3A_113 : memref<1x128xi32, #tpu.memory_space<vmem>> -> memref<128xi32, #tpu.memory_space<vmem>>
        %dma_start3A_115 = arith.constant 0 : i32
        %dma_start3A_116 = arith.constant 0 : i32
        %dma_start3A_117 = tpu.memref_slice %arg13[%dma_start3A_115, %dma_start3A_116] : memref<10240x128xf32, #tpu.memory_space<vmem_shared>> -> memref<10240x128xf32, #tpu.memory_space<vmem_shared>>
        tpu.enqueue_indirect_dma source(%arg10 : memref<128x128xf32, #tpu.memory_space<vmem>>) target(%dma_start3A_117 : memref<10240x128xf32, #tpu.memory_space<vmem_shared>>) offsets(%dma_start3A_114 : memref<128xi32, #tpu.memory_space<vmem>>) semaphore(%run_scoped3A_111 : memref<!tpu.dma_semaphore, #tpu.memory_space<semaphore_mem>>) {add = true}
        %dma_wait3A_118 = arith.constant 0 : i32
        %dma_wait3A_119 = tpu.memref_slice %arg8[%add3A_110, %dma_wait3A_118] : memref<40x128xi32, #tpu.memory_space<vmem>> -> memref<1x128xi32, #tpu.memory_space<vmem>>
        %dma_wait3A_120 = tpu.memref_squeeze %dma_wait3A_119 : memref<1x128xi32, #tpu.memory_space<vmem>> -> memref<128xi32, #tpu.memory_space<vmem>>
        %dma_wait3A_121 = arith.constant 0 : i32
        %dma_wait3A_122 = arith.constant 0 : i32
        %dma_wait3A_123 = tpu.memref_slice %arg13[%dma_wait3A_121, %dma_wait3A_122] : memref<10240x128xf32, #tpu.memory_space<vmem_shared>> -> memref<10240x128xf32, #tpu.memory_space<vmem_shared>>
        tpu.wait_indirect_dma semaphore(%run_scoped3A_111 : memref<!tpu.dma_semaphore, #tpu.memory_space<semaphore_mem>>) src(%arg10 : memref<128x128xf32, #tpu.memory_space<vmem>>) dst(%dma_wait3A_123 : memref<10240x128xf32, #tpu.memory_space<vmem_shared>>)
        tpu.yield
      }) : () -> ()
    }
    %scan3A_47 = arith.constant 19 : i32
    %dma_wait3A_48 = arith.constant 38 : i32
    %dma_wait3A_49 = arith.constant 0 : i32
    %dma_wait3A_50 = tpu.memref_slice %arg7[%dma_wait3A_48, %dma_wait3A_49] : memref<40x128xi32, #tpu.memory_space<vmem>> -> memref<1x128xi32, #tpu.memory_space<vmem>>
    %dma_wait3A_51 = tpu.memref_squeeze %dma_wait3A_50 : memref<1x128xi32, #tpu.memory_space<vmem>> -> memref<128xi32, #tpu.memory_space<vmem>>
    %dma_wait3A_52 = arith.constant 0 : i32
    %dma_wait3A_53 = arith.constant 0 : i32
    %dma_wait3A_54 = tpu.memref_slice %arg2[%dma_wait3A_52, %dma_wait3A_53] : memref<10000x128xf32, #tpu.memory_space<hbm>> -> memref<10000x128xf32, #tpu.memory_space<hbm>>
    tpu.wait_indirect_dma semaphore(%arg11 : memref<!tpu.dma_semaphore, #tpu.memory_space<semaphore_mem>>) src(%dma_wait3A_54 : memref<10000x128xf32, #tpu.memory_space<hbm>>) dst(%arg9 : memref<128x128xf32, #tpu.memory_space<vmem>>)
    %dma_start3A_55 = arith.constant 39 : i32
    %dma_start3A_56 = arith.constant 0 : i32
    %dma_start3A_57 = tpu.memref_slice %arg7[%dma_start3A_55, %dma_start3A_56] : memref<40x128xi32, #tpu.memory_space<vmem>> -> memref<1x128xi32, #tpu.memory_space<vmem>>
    %dma_start3A_58 = tpu.memref_squeeze %dma_start3A_57 : memref<1x128xi32, #tpu.memory_space<vmem>> -> memref<128xi32, #tpu.memory_space<vmem>>
    %dma_start3A_59 = arith.constant 0 : i32
    %dma_start3A_60 = arith.constant 0 : i32
    %dma_start3A_61 = tpu.memref_slice %arg2[%dma_start3A_59, %dma_start3A_60] : memref<10000x128xf32, #tpu.memory_space<hbm>> -> memref<10000x128xf32, #tpu.memory_space<hbm>>
    tpu.enqueue_indirect_dma source(%dma_start3A_61 : memref<10000x128xf32, #tpu.memory_space<hbm>>) target(%arg10 : memref<128x128xf32, #tpu.memory_space<vmem>>) offsets(%dma_start3A_58 : memref<128xi32, #tpu.memory_space<vmem>>) semaphore(%arg12 : memref<!tpu.dma_semaphore, #tpu.memory_space<semaphore_mem>>)
    %run_scoped3A_62 = arith.constant 38 : i32
    "tpu.region"() ({
      %run_scoped3A_76 = tpu.sem_alloc : memref<!tpu.dma_semaphore, #tpu.memory_space<semaphore_mem>>
      %dma_start3A_77 = arith.constant 0 : i32
      %dma_start3A_78 = tpu.memref_slice %arg8[%run_scoped3A_62, %dma_start3A_77] : memref<40x128xi32, #tpu.memory_space<vmem>> -> memref<1x128xi32, #tpu.memory_space<vmem>>
      %dma_start3A_79 = tpu.memref_squeeze %dma_start3A_78 : memref<1x128xi32, #tpu.memory_space<vmem>> -> memref<128xi32, #tpu.memory_space<vmem>>
      %dma_start3A_80 = arith.constant 0 : i32
      %dma_start3A_81 = arith.constant 0 : i32
      %dma_start3A_82 = tpu.memref_slice %arg13[%dma_start3A_80, %dma_start3A_81] : memref<10240x128xf32, #tpu.memory_space<vmem_shared>> -> memref<10240x128xf32, #tpu.memory_space<vmem_shared>>
      tpu.enqueue_indirect_dma source(%arg9 : memref<128x128xf32, #tpu.memory_space<vmem>>) target(%dma_start3A_82 : memref<10240x128xf32, #tpu.memory_space<vmem_shared>>) offsets(%dma_start3A_79 : memref<128xi32, #tpu.memory_space<vmem>>) semaphore(%run_scoped3A_76 : memref<!tpu.dma_semaphore, #tpu.memory_space<semaphore_mem>>) {add = true}
      %dma_wait3A_83 = arith.constant 0 : i32
      %dma_wait3A_84 = tpu.memref_slice %arg8[%run_scoped3A_62, %dma_wait3A_83] : memref<40x128xi32, #tpu.memory_space<vmem>> -> memref<1x128xi32, #tpu.memory_space<vmem>>
      %dma_wait3A_85 = tpu.memref_squeeze %dma_wait3A_84 : memref<1x128xi32, #tpu.memory_space<vmem>> -> memref<128xi32, #tpu.memory_space<vmem>>
      %dma_wait3A_86 = arith.constant 0 : i32
      %dma_wait3A_87 = arith.constant 0 : i32
      %dma_wait3A_88 = tpu.memref_slice %arg13[%dma_wait3A_86, %dma_wait3A_87] : memref<10240x128xf32, #tpu.memory_space<vmem_shared>> -> memref<10240x128xf32, #tpu.memory_space<vmem_shared>>
      tpu.wait_indirect_dma semaphore(%run_scoped3A_76 : memref<!tpu.dma_semaphore, #tpu.memory_space<semaphore_mem>>) src(%arg9 : memref<128x128xf32, #tpu.memory_space<vmem>>) dst(%dma_wait3A_88 : memref<10240x128xf32, #tpu.memory_space<vmem_shared>>)
      tpu.yield
    }) : () -> ()
    %dma_wait3A_63 = arith.constant 39 : i32
    %dma_wait3A_64 = arith.constant 0 : i32
    %dma_wait3A_65 = tpu.memref_slice %arg7[%dma_wait3A_63, %dma_wait3A_64] : memref<40x128xi32, #tpu.memory_space<vmem>> -> memref<1x128xi32, #tpu.memory_space<vmem>>
    %dma_wait3A_66 = tpu.memref_squeeze %dma_wait3A_65 : memref<1x128xi32, #tpu.memory_space<vmem>> -> memref<128xi32, #tpu.memory_space<vmem>>
    %dma_wait3A_67 = arith.constant 0 : i32
    %dma_wait3A_68 = arith.constant 0 : i32
    %dma_wait3A_69 = tpu.memref_slice %arg2[%dma_wait3A_67, %dma_wait3A_68] : memref<10000x128xf32, #tpu.memory_space<hbm>> -> memref<10000x128xf32, #tpu.memory_space<hbm>>
    tpu.wait_indirect_dma semaphore(%arg12 : memref<!tpu.dma_semaphore, #tpu.memory_space<semaphore_mem>>) src(%dma_wait3A_69 : memref<10000x128xf32, #tpu.memory_space<hbm>>) dst(%arg10 : memref<128x128xf32, #tpu.memory_space<vmem>>)
    %run_scoped3A_70 = arith.constant 39 : i32
    "tpu.region"() ({
      %run_scoped3A_76 = tpu.sem_alloc : memref<!tpu.dma_semaphore, #tpu.memory_space<semaphore_mem>>
      %dma_start3A_77 = arith.constant 0 : i32
      %dma_start3A_78 = tpu.memref_slice %arg8[%run_scoped3A_70, %dma_start3A_77] : memref<40x128xi32, #tpu.memory_space<vmem>> -> memref<1x128xi32, #tpu.memory_space<vmem>>
      %dma_start3A_79 = tpu.memref_squeeze %dma_start3A_78 : memref<1x128xi32, #tpu.memory_space<vmem>> -> memref<128xi32, #tpu.memory_space<vmem>>
      %dma_start3A_80 = arith.constant 0 : i32
      %dma_start3A_81 = arith.constant 0 : i32
      %dma_start3A_82 = tpu.memref_slice %arg13[%dma_start3A_80, %dma_start3A_81] : memref<10240x128xf32, #tpu.memory_space<vmem_shared>> -> memref<10240x128xf32, #tpu.memory_space<vmem_shared>>
      tpu.enqueue_indirect_dma source(%arg10 : memref<128x128xf32, #tpu.memory_space<vmem>>) target(%dma_start3A_82 : memref<10240x128xf32, #tpu.memory_space<vmem_shared>>) offsets(%dma_start3A_79 : memref<128xi32, #tpu.memory_space<vmem>>) semaphore(%run_scoped3A_76 : memref<!tpu.dma_semaphore, #tpu.memory_space<semaphore_mem>>) {add = true}
      %dma_wait3A_83 = arith.constant 0 : i32
      %dma_wait3A_84 = tpu.memref_slice %arg8[%run_scoped3A_70, %dma_wait3A_83] : memref<40x128xi32, #tpu.memory_space<vmem>> -> memref<1x128xi32, #tpu.memory_space<vmem>>
      %dma_wait3A_85 = tpu.memref_squeeze %dma_wait3A_84 : memref<1x128xi32, #tpu.memory_space<vmem>> -> memref<128xi32, #tpu.memory_space<vmem>>
      %dma_wait3A_86 = arith.constant 0 : i32
      %dma_wait3A_87 = arith.constant 0 : i32
      %dma_wait3A_88 = tpu.memref_slice %arg13[%dma_wait3A_86, %dma_wait3A_87] : memref<10240x128xf32, #tpu.memory_space<vmem_shared>> -> memref<10240x128xf32, #tpu.memory_space<vmem_shared>>
      tpu.wait_indirect_dma semaphore(%run_scoped3A_76 : memref<!tpu.dma_semaphore, #tpu.memory_space<semaphore_mem>>) src(%arg10 : memref<128x128xf32, #tpu.memory_space<vmem>>) dst(%dma_wait3A_88 : memref<10240x128xf32, #tpu.memory_space<vmem_shared>>)
      tpu.yield
    }) : () -> ()
    %barrier3A_71 = arith.constant 0 : index
    tpu.barrier barrier_id(%barrier3A_71)
    %mul3A_72 = arith.constant 640 : i32
    %mul3A_73 = arith.muli %arg1, %mul3A_72 : i32
    %mul3A_74 = arith.constant 640 : i32
    %mul3A_75 = arith.muli %arg1, %mul3A_74 : i32
    "tpu.region"() ({
      %run_scoped3A_76 = tpu.sem_alloc : memref<!tpu.dma_semaphore, #tpu.memory_space<semaphore_mem>>
      %dma_start3A_77 = arith.constant 0 : i32
      %dma_start3A_78 = tpu.memref_slice %arg6[%arg0, %mul3A_75, %dma_start3A_77] : memref<2x10240x128xf32, #tpu.memory_space<hbm>> -> memref<1x640x128xf32, #tpu.memory_space<hbm>>
      %dma_start3A_79 = tpu.memref_squeeze %dma_start3A_78 : memref<1x640x128xf32, #tpu.memory_space<hbm>> -> memref<640x128xf32, #tpu.memory_space<hbm>>
      %dma_start3A_80 = arith.constant 0 : i32
      %dma_start3A_81 = tpu.memref_slice %arg13[%mul3A_73, %dma_start3A_80] : memref<10240x128xf32, #tpu.memory_space<vmem_shared>> -> memref<640x128xf32, #tpu.memory_space<vmem_shared>>
      tpu.enqueue_dma source(%dma_start3A_81 : memref<640x128xf32, #tpu.memory_space<vmem_shared>>) target(%dma_start3A_79 : memref<640x128xf32, #tpu.memory_space<hbm>>) target_semaphore(%run_scoped3A_76 : memref<!tpu.dma_semaphore, #tpu.memory_space<semaphore_mem>>)
      %dma_wait3A_82 = arith.constant 0 : i32
      %dma_wait3A_83 = tpu.memref_slice %arg6[%arg0, %mul3A_75, %dma_wait3A_82] : memref<2x10240x128xf32, #tpu.memory_space<hbm>> -> memref<1x640x128xf32, #tpu.memory_space<hbm>>
      %dma_wait3A_84 = tpu.memref_squeeze %dma_wait3A_83 : memref<1x640x128xf32, #tpu.memory_space<hbm>> -> memref<640x128xf32, #tpu.memory_space<hbm>>
      %dma_wait3A_85 = arith.constant 0 : i32
      %dma_wait3A_86 = tpu.memref_slice %arg13[%mul3A_73, %dma_wait3A_85] : memref<10240x128xf32, #tpu.memory_space<vmem_shared>> -> memref<640x128xf32, #tpu.memory_space<vmem_shared>>
      tpu.wait_dma2 semaphore(%run_scoped3A_76 : memref<!tpu.dma_semaphore, #tpu.memory_space<semaphore_mem>>) src(%dma_wait3A_86 : memref<640x128xf32, #tpu.memory_space<vmem_shared>>) dst(%dma_wait3A_84 : memref<640x128xf32, #tpu.memory_space<hbm>>)
      tpu.yield
    }) : () -> ()
    return
  }
}

#map = affine_map<(d0, d1) -> (0, 0, 0)>
#map1 = affine_map<(d0, d1) -> (0)>
module attributes {stable_mosaic.version = 14 : i64} {
  func.func @sc_deg(%arg0: i32, %arg1: i32, %arg2: memref<32x80x128xi32, #tpu.memory_space<hbm>>, %arg3: memref<128xf32, #tpu.memory_space<hbm>>, %arg4: memref<640xf32, #tpu.memory_space<hbm>>, %arg5: memref<10240xf32, #tpu.memory_space<hbm>>, %arg6: memref<10240xf32, #tpu.memory_space<hbm>>, %arg7: memref<80x128xi32, #tpu.memory_space<vmem>>, %arg8: memref<128xf32, #tpu.memory_space<vmem>>, %arg9: memref<10240xf32, #tpu.memory_space<vmem_shared>>) attributes {dimension_semantics = [#tpu.dimension_semantics<core_parallel>, #tpu.dimension_semantics<subcore_parallel>], iteration_bounds = array<i64: 2, 16>, scalar_prefetch = 0 : i64, scratch_operands = 3 : i64, tpu.core_type = #tpu.core_type<sc_vector_subcore>, window_params = [{transform_indices = #map}, {transform_indices = #map1}, {transform_indices = #map1}, {transform_indices = #map1}, {transform_indices = #map1}]} {
    %mul3A = arith.constant 16 : i32
    %mul3A_0 = arith.muli %arg0, %mul3A : i32
    %add3A = arith.addi %mul3A_0, %arg1 : i32
    "tpu.region"() ({
      %run_scoped3A = tpu.sem_alloc : memref<!tpu.dma_semaphore, #tpu.memory_space<semaphore_mem>>
      %dma_start3A = arith.constant 0 : i32
      %dma_start3A_16 = arith.constant 0 : i32
      %dma_start3A_17 = tpu.memref_slice %arg2[%add3A, %dma_start3A, %dma_start3A_16] : memref<32x80x128xi32, #tpu.memory_space<hbm>> -> memref<1x80x128xi32, #tpu.memory_space<hbm>>
      %dma_start3A_18 = tpu.memref_squeeze %dma_start3A_17 : memref<1x80x128xi32, #tpu.memory_space<hbm>> -> memref<80x128xi32, #tpu.memory_space<hbm>>
      %dma_start3A_19 = arith.constant 0 : i32
      %dma_start3A_20 = arith.constant 0 : i32
      %dma_start3A_21 = tpu.memref_slice %arg2[%add3A, %dma_start3A_19, %dma_start3A_20] : memref<32x80x128xi32, #tpu.memory_space<hbm>> -> memref<1x80x128xi32, #tpu.memory_space<hbm>>
      %dma_start3A_22 = tpu.memref_squeeze %dma_start3A_21 : memref<1x80x128xi32, #tpu.memory_space<hbm>> -> memref<80x128xi32, #tpu.memory_space<hbm>>
      tpu.enqueue_dma source(%dma_start3A_22 : memref<80x128xi32, #tpu.memory_space<hbm>>) target(%arg7 : memref<80x128xi32, #tpu.memory_space<vmem>>) target_semaphore(%run_scoped3A : memref<!tpu.dma_semaphore, #tpu.memory_space<semaphore_mem>>)
      %dma_wait3A = arith.constant 0 : i32
      %dma_wait3A_23 = arith.constant 0 : i32
      %dma_wait3A_24 = tpu.memref_slice %arg2[%add3A, %dma_wait3A, %dma_wait3A_23] : memref<32x80x128xi32, #tpu.memory_space<hbm>> -> memref<1x80x128xi32, #tpu.memory_space<hbm>>
      %dma_wait3A_25 = tpu.memref_squeeze %dma_wait3A_24 : memref<1x80x128xi32, #tpu.memory_space<hbm>> -> memref<80x128xi32, #tpu.memory_space<hbm>>
      %dma_wait3A_26 = arith.constant 0 : i32
      %dma_wait3A_27 = arith.constant 0 : i32
      %dma_wait3A_28 = tpu.memref_slice %arg2[%add3A, %dma_wait3A_26, %dma_wait3A_27] : memref<32x80x128xi32, #tpu.memory_space<hbm>> -> memref<1x80x128xi32, #tpu.memory_space<hbm>>
      %dma_wait3A_29 = tpu.memref_squeeze %dma_wait3A_28 : memref<1x80x128xi32, #tpu.memory_space<hbm>> -> memref<80x128xi32, #tpu.memory_space<hbm>>
      tpu.wait_dma2 semaphore(%run_scoped3A : memref<!tpu.dma_semaphore, #tpu.memory_space<semaphore_mem>>) src(%dma_wait3A_29 : memref<80x128xi32, #tpu.memory_space<hbm>>) dst(%arg7 : memref<80x128xi32, #tpu.memory_space<vmem>>)
      tpu.yield
    }) : () -> ()
    "tpu.region"() ({
      %run_scoped3A = tpu.sem_alloc : memref<!tpu.dma_semaphore, #tpu.memory_space<semaphore_mem>>
      tpu.enqueue_dma source(%arg3 : memref<128xf32, #tpu.memory_space<hbm>>) target(%arg8 : memref<128xf32, #tpu.memory_space<vmem>>) target_semaphore(%run_scoped3A : memref<!tpu.dma_semaphore, #tpu.memory_space<semaphore_mem>>)
      tpu.wait_dma2 semaphore(%run_scoped3A : memref<!tpu.dma_semaphore, #tpu.memory_space<semaphore_mem>>) src(%arg3 : memref<128xf32, #tpu.memory_space<hbm>>) dst(%arg8 : memref<128xf32, #tpu.memory_space<vmem>>)
      tpu.yield
    }) : () -> ()
    %mul3A_1 = arith.constant 640 : i32
    %mul3A_2 = arith.muli %arg1, %mul3A_1 : i32
    "tpu.region"() ({
      %run_scoped3A = tpu.sem_alloc : memref<!tpu.dma_semaphore, #tpu.memory_space<semaphore_mem>>
      %dma_start3A = tpu.memref_slice %arg9[%mul3A_2] : memref<10240xf32, #tpu.memory_space<vmem_shared>> -> memref<640xf32, #tpu.memory_space<vmem_shared>>
      tpu.enqueue_dma source(%arg4 : memref<640xf32, #tpu.memory_space<hbm>>) target(%dma_start3A : memref<640xf32, #tpu.memory_space<vmem_shared>>) target_semaphore(%run_scoped3A : memref<!tpu.dma_semaphore, #tpu.memory_space<semaphore_mem>>)
      %dma_wait3A = tpu.memref_slice %arg9[%mul3A_2] : memref<10240xf32, #tpu.memory_space<vmem_shared>> -> memref<640xf32, #tpu.memory_space<vmem_shared>>
      tpu.wait_dma2 semaphore(%run_scoped3A : memref<!tpu.dma_semaphore, #tpu.memory_space<semaphore_mem>>) src(%arg4 : memref<640xf32, #tpu.memory_space<hbm>>) dst(%dma_wait3A : memref<640xf32, #tpu.memory_space<vmem_shared>>)
      tpu.yield
    }) : () -> ()
    %barrier3A = arith.constant 0 : index
    tpu.barrier barrier_id(%barrier3A)
    %scan3A = arith.constant 0 : i32
    %scan3A_3 = arith.constant 0 : i32
    %scan3A_4 = arith.constant 80 : i32
    %scan3A_5 = arith.addi %scan3A_3, %scan3A_4 : i32
    %scan3A_6 = arith.constant 1 : i32
    scf.for %scan3A_16 = %scan3A_3 to %scan3A_5 step %scan3A_6  : i32 {
      "tpu.region"() ({
        %run_scoped3A = tpu.sem_alloc : memref<!tpu.dma_semaphore, #tpu.memory_space<semaphore_mem>>
        %dma_start3A = arith.constant 0 : i32
        %dma_start3A_17 = tpu.memref_slice %arg7[%scan3A_16, %dma_start3A] : memref<80x128xi32, #tpu.memory_space<vmem>> -> memref<1x128xi32, #tpu.memory_space<vmem>>
        %dma_start3A_18 = tpu.memref_squeeze %dma_start3A_17 : memref<1x128xi32, #tpu.memory_space<vmem>> -> memref<128xi32, #tpu.memory_space<vmem>>
        %dma_start3A_19 = arith.constant 0 : i32
        %dma_start3A_20 = tpu.memref_slice %arg9[%dma_start3A_19] : memref<10240xf32, #tpu.memory_space<vmem_shared>> -> memref<10240xf32, #tpu.memory_space<vmem_shared>>
        tpu.enqueue_indirect_dma source(%arg8 : memref<128xf32, #tpu.memory_space<vmem>>) target(%dma_start3A_20 : memref<10240xf32, #tpu.memory_space<vmem_shared>>) offsets(%dma_start3A_18 : memref<128xi32, #tpu.memory_space<vmem>>) semaphore(%run_scoped3A : memref<!tpu.dma_semaphore, #tpu.memory_space<semaphore_mem>>) {add = true}
        %dma_wait3A = arith.constant 0 : i32
        %dma_wait3A_21 = tpu.memref_slice %arg7[%scan3A_16, %dma_wait3A] : memref<80x128xi32, #tpu.memory_space<vmem>> -> memref<1x128xi32, #tpu.memory_space<vmem>>
        %dma_wait3A_22 = tpu.memref_squeeze %dma_wait3A_21 : memref<1x128xi32, #tpu.memory_space<vmem>> -> memref<128xi32, #tpu.memory_space<vmem>>
        %dma_wait3A_23 = arith.constant 0 : i32
        %dma_wait3A_24 = tpu.memref_slice %arg9[%dma_wait3A_23] : memref<10240xf32, #tpu.memory_space<vmem_shared>> -> memref<10240xf32, #tpu.memory_space<vmem_shared>>
        tpu.wait_indirect_dma semaphore(%run_scoped3A : memref<!tpu.dma_semaphore, #tpu.memory_space<semaphore_mem>>) src(%arg8 : memref<128xf32, #tpu.memory_space<vmem>>) dst(%dma_wait3A_24 : memref<10240xf32, #tpu.memory_space<vmem_shared>>)
        tpu.yield
      }) : () -> ()
    }
    %scan3A_7 = arith.constant 80 : i32
    %barrier3A_8 = arith.constant 0 : index
    tpu.barrier barrier_id(%barrier3A_8)
    %eq3A = arith.constant 0 : i32
    %eq3A_9 = arith.cmpi eq, %arg0, %eq3A : i32
    %convert_element_type3A = arith.extui %eq3A_9 : i1 to i32
    %cond3A = arith.constant 0 : i32
    %cond3A_10 = arith.cmpi ne, %convert_element_type3A, %cond3A : i32
    scf.if %cond3A_10 {
      %mul3A_16 = arith.constant 640 : i32
      %mul3A_17 = arith.muli %arg1, %mul3A_16 : i32
      %mul3A_18 = arith.constant 640 : i32
      %mul3A_19 = arith.muli %arg1, %mul3A_18 : i32
      "tpu.region"() ({
        %run_scoped3A = tpu.sem_alloc : memref<!tpu.dma_semaphore, #tpu.memory_space<semaphore_mem>>
        %dma_start3A = tpu.memref_slice %arg5[%mul3A_19] : memref<10240xf32, #tpu.memory_space<hbm>> -> memref<640xf32, #tpu.memory_space<hbm>>
        %dma_start3A_20 = tpu.memref_slice %arg9[%mul3A_17] : memref<10240xf32, #tpu.memory_space<vmem_shared>> -> memref<640xf32, #tpu.memory_space<vmem_shared>>
        tpu.enqueue_dma source(%dma_start3A_20 : memref<640xf32, #tpu.memory_space<vmem_shared>>) target(%dma_start3A : memref<640xf32, #tpu.memory_space<hbm>>) target_semaphore(%run_scoped3A : memref<!tpu.dma_semaphore, #tpu.memory_space<semaphore_mem>>)
        %dma_wait3A = tpu.memref_slice %arg5[%mul3A_19] : memref<10240xf32, #tpu.memory_space<hbm>> -> memref<640xf32, #tpu.memory_space<hbm>>
        %dma_wait3A_21 = tpu.memref_slice %arg9[%mul3A_17] : memref<10240xf32, #tpu.memory_space<vmem_shared>> -> memref<640xf32, #tpu.memory_space<vmem_shared>>
        tpu.wait_dma2 semaphore(%run_scoped3A : memref<!tpu.dma_semaphore, #tpu.memory_space<semaphore_mem>>) src(%dma_wait3A_21 : memref<640xf32, #tpu.memory_space<vmem_shared>>) dst(%dma_wait3A : memref<640xf32, #tpu.memory_space<hbm>>)
        tpu.yield
      }) : () -> ()
    } else {
    }
    %eq3A_11 = arith.constant 1 : i32
    %eq3A_12 = arith.cmpi eq, %arg0, %eq3A_11 : i32
    %convert_element_type3A_13 = arith.extui %eq3A_12 : i1 to i32
    %cond3A_14 = arith.constant 0 : i32
    %cond3A_15 = arith.cmpi ne, %convert_element_type3A_13, %cond3A_14 : i32
    scf.if %cond3A_15 {
      %mul3A_16 = arith.constant 640 : i32
      %mul3A_17 = arith.muli %arg1, %mul3A_16 : i32
      %mul3A_18 = arith.constant 640 : i32
      %mul3A_19 = arith.muli %arg1, %mul3A_18 : i32
      "tpu.region"() ({
        %run_scoped3A = tpu.sem_alloc : memref<!tpu.dma_semaphore, #tpu.memory_space<semaphore_mem>>
        %dma_start3A = tpu.memref_slice %arg6[%mul3A_19] : memref<10240xf32, #tpu.memory_space<hbm>> -> memref<640xf32, #tpu.memory_space<hbm>>
        %dma_start3A_20 = tpu.memref_slice %arg9[%mul3A_17] : memref<10240xf32, #tpu.memory_space<vmem_shared>> -> memref<640xf32, #tpu.memory_space<vmem_shared>>
        tpu.enqueue_dma source(%dma_start3A_20 : memref<640xf32, #tpu.memory_space<vmem_shared>>) target(%dma_start3A : memref<640xf32, #tpu.memory_space<hbm>>) target_semaphore(%run_scoped3A : memref<!tpu.dma_semaphore, #tpu.memory_space<semaphore_mem>>)
        %dma_wait3A = tpu.memref_slice %arg6[%mul3A_19] : memref<10240xf32, #tpu.memory_space<hbm>> -> memref<640xf32, #tpu.memory_space<hbm>>
        %dma_wait3A_21 = tpu.memref_slice %arg9[%mul3A_17] : memref<10240xf32, #tpu.memory_space<vmem_shared>> -> memref<640xf32, #tpu.memory_space<vmem_shared>>
        tpu.wait_dma2 semaphore(%run_scoped3A : memref<!tpu.dma_semaphore, #tpu.memory_space<semaphore_mem>>) src(%dma_wait3A_21 : memref<640xf32, #tpu.memory_space<vmem_shared>>) dst(%dma_wait3A : memref<640xf32, #tpu.memory_space<hbm>>)
        tpu.yield
      }) : () -> ()
    } else {
    }
    return
  }
}

#map = affine_map<(d0, d1) -> (0, 0)>
#map1 = affine_map<(d0, d1) -> (0, 0, 0)>
module attributes {stable_mosaic.version = 14 : i64} {
  func.func @sc_agg(%arg0: i32, %arg1: i32, %arg2: memref<10000x128xf32, #tpu.memory_space<hbm>>, %arg3: memref<32x80x128xi32, #tpu.memory_space<hbm>>, %arg4: memref<32x80x128xi32, #tpu.memory_space<hbm>>, %arg5: memref<640x128xf32, #tpu.memory_space<hbm>>, %arg6: memref<2x10240x128xf32, #tpu.memory_space<hbm>>, %arg7: memref<40x128xi32, #tpu.memory_space<vmem>>, %arg8: memref<40x128xi32, #tpu.memory_space<vmem>>, %arg9: memref<128x128xf32, #tpu.memory_space<vmem>>, %arg10: memref<128x128xf32, #tpu.memory_space<vmem>>, %arg11: memref<!tpu.dma_semaphore, #tpu.memory_space<semaphore_mem>>, %arg12: memref<!tpu.dma_semaphore, #tpu.memory_space<semaphore_mem>>, %arg13: memref<10240x128xf32, #tpu.memory_space<vmem_shared>>) attributes {dimension_semantics = [#tpu.dimension_semantics<core_parallel>, #tpu.dimension_semantics<subcore_parallel>], iteration_bounds = array<i64: 2, 16>, scalar_prefetch = 0 : i64, scratch_operands = 7 : i64, tpu.core_type = #tpu.core_type<sc_vector_subcore>, window_params = [{transform_indices = #map}, {transform_indices = #map1}, {transform_indices = #map1}, {transform_indices = #map}, {transform_indices = #map1}]} {
    %mul3A = arith.constant 16 : i32
    %mul3A_0 = arith.muli %arg0, %mul3A : i32
    %add3A = arith.addi %mul3A_0, %arg1 : i32
    %mul3A_1 = arith.constant 640 : i32
    %mul3A_2 = arith.muli %arg1, %mul3A_1 : i32
    "tpu.region"() ({
      %run_scoped3A_76 = tpu.sem_alloc : memref<!tpu.dma_semaphore, #tpu.memory_space<semaphore_mem>>
      %dma_start3A_77 = arith.constant 0 : i32
      %dma_start3A_78 = tpu.memref_slice %arg13[%mul3A_2, %dma_start3A_77] : memref<10240x128xf32, #tpu.memory_space<vmem_shared>> -> memref<640x128xf32, #tpu.memory_space<vmem_shared>>
      tpu.enqueue_dma source(%arg5 : memref<640x128xf32, #tpu.memory_space<hbm>>) target(%dma_start3A_78 : memref<640x128xf32, #tpu.memory_space<vmem_shared>>) target_semaphore(%run_scoped3A_76 : memref<!tpu.dma_semaphore, #tpu.memory_space<semaphore_mem>>)
      %dma_wait3A_79 = arith.constant 0 : i32
      %dma_wait3A_80 = tpu.memref_slice %arg13[%mul3A_2, %dma_wait3A_79] : memref<10240x128xf32, #tpu.memory_space<vmem_shared>> -> memref<640x128xf32, #tpu.memory_space<vmem_shared>>
      tpu.wait_dma2 semaphore(%run_scoped3A_76 : memref<!tpu.dma_semaphore, #tpu.memory_space<semaphore_mem>>) src(%arg5 : memref<640x128xf32, #tpu.memory_space<hbm>>) dst(%dma_wait3A_80 : memref<640x128xf32, #tpu.memory_space<vmem_shared>>)
      tpu.yield
    }) : () -> ()
    %barrier3A = arith.constant 0 : index
    tpu.barrier barrier_id(%barrier3A)
    "tpu.region"() ({
      %run_scoped3A_76 = tpu.sem_alloc : memref<!tpu.dma_semaphore, #tpu.memory_space<semaphore_mem>>
      %dma_start3A_77 = arith.constant 0 : i32
      %dma_start3A_78 = arith.constant 0 : i32
      %dma_start3A_79 = tpu.memref_slice %arg3[%add3A, %dma_start3A_77, %dma_start3A_78] : memref<32x80x128xi32, #tpu.memory_space<hbm>> -> memref<1x40x128xi32, #tpu.memory_space<hbm>>
      %dma_start3A_80 = tpu.memref_squeeze %dma_start3A_79 : memref<1x40x128xi32, #tpu.memory_space<hbm>> -> memref<40x128xi32, #tpu.memory_space<hbm>>
      %dma_start3A_81 = arith.constant 0 : i32
      %dma_start3A_82 = arith.constant 0 : i32
      %dma_start3A_83 = tpu.memref_slice %arg3[%add3A, %dma_start3A_81, %dma_start3A_82] : memref<32x80x128xi32, #tpu.memory_space<hbm>> -> memref<1x40x128xi32, #tpu.memory_space<hbm>>
      %dma_start3A_84 = tpu.memref_squeeze %dma_start3A_83 : memref<1x40x128xi32, #tpu.memory_space<hbm>> -> memref<40x128xi32, #tpu.memory_space<hbm>>
      tpu.enqueue_dma source(%dma_start3A_84 : memref<40x128xi32, #tpu.memory_space<hbm>>) target(%arg7 : memref<40x128xi32, #tpu.memory_space<vmem>>) target_semaphore(%run_scoped3A_76 : memref<!tpu.dma_semaphore, #tpu.memory_space<semaphore_mem>>)
      %dma_wait3A_85 = arith.constant 0 : i32
      %dma_wait3A_86 = arith.constant 0 : i32
      %dma_wait3A_87 = tpu.memref_slice %arg3[%add3A, %dma_wait3A_85, %dma_wait3A_86] : memref<32x80x128xi32, #tpu.memory_space<hbm>> -> memref<1x40x128xi32, #tpu.memory_space<hbm>>
      %dma_wait3A_88 = tpu.memref_squeeze %dma_wait3A_87 : memref<1x40x128xi32, #tpu.memory_space<hbm>> -> memref<40x128xi32, #tpu.memory_space<hbm>>
      %dma_wait3A_89 = arith.constant 0 : i32
      %dma_wait3A_90 = arith.constant 0 : i32
      %dma_wait3A_91 = tpu.memref_slice %arg3[%add3A, %dma_wait3A_89, %dma_wait3A_90] : memref<32x80x128xi32, #tpu.memory_space<hbm>> -> memref<1x40x128xi32, #tpu.memory_space<hbm>>
      %dma_wait3A_92 = tpu.memref_squeeze %dma_wait3A_91 : memref<1x40x128xi32, #tpu.memory_space<hbm>> -> memref<40x128xi32, #tpu.memory_space<hbm>>
      tpu.wait_dma2 semaphore(%run_scoped3A_76 : memref<!tpu.dma_semaphore, #tpu.memory_space<semaphore_mem>>) src(%dma_wait3A_92 : memref<40x128xi32, #tpu.memory_space<hbm>>) dst(%arg7 : memref<40x128xi32, #tpu.memory_space<vmem>>)
      tpu.yield
    }) : () -> ()
    "tpu.region"() ({
      %run_scoped3A_76 = tpu.sem_alloc : memref<!tpu.dma_semaphore, #tpu.memory_space<semaphore_mem>>
      %dma_start3A_77 = arith.constant 0 : i32
      %dma_start3A_78 = arith.constant 0 : i32
      %dma_start3A_79 = tpu.memref_slice %arg4[%add3A, %dma_start3A_77, %dma_start3A_78] : memref<32x80x128xi32, #tpu.memory_space<hbm>> -> memref<1x40x128xi32, #tpu.memory_space<hbm>>
      %dma_start3A_80 = tpu.memref_squeeze %dma_start3A_79 : memref<1x40x128xi32, #tpu.memory_space<hbm>> -> memref<40x128xi32, #tpu.memory_space<hbm>>
      %dma_start3A_81 = arith.constant 0 : i32
      %dma_start3A_82 = arith.constant 0 : i32
      %dma_start3A_83 = tpu.memref_slice %arg4[%add3A, %dma_start3A_81, %dma_start3A_82] : memref<32x80x128xi32, #tpu.memory_space<hbm>> -> memref<1x40x128xi32, #tpu.memory_space<hbm>>
      %dma_start3A_84 = tpu.memref_squeeze %dma_start3A_83 : memref<1x40x128xi32, #tpu.memory_space<hbm>> -> memref<40x128xi32, #tpu.memory_space<hbm>>
      tpu.enqueue_dma source(%dma_start3A_84 : memref<40x128xi32, #tpu.memory_space<hbm>>) target(%arg8 : memref<40x128xi32, #tpu.memory_space<vmem>>) target_semaphore(%run_scoped3A_76 : memref<!tpu.dma_semaphore, #tpu.memory_space<semaphore_mem>>)
      %dma_wait3A_85 = arith.constant 0 : i32
      %dma_wait3A_86 = arith.constant 0 : i32
      %dma_wait3A_87 = tpu.memref_slice %arg4[%add3A, %dma_wait3A_85, %dma_wait3A_86] : memref<32x80x128xi32, #tpu.memory_space<hbm>> -> memref<1x40x128xi32, #tpu.memory_space<hbm>>
      %dma_wait3A_88 = tpu.memref_squeeze %dma_wait3A_87 : memref<1x40x128xi32, #tpu.memory_space<hbm>> -> memref<40x128xi32, #tpu.memory_space<hbm>>
      %dma_wait3A_89 = arith.constant 0 : i32
      %dma_wait3A_90 = arith.constant 0 : i32
      %dma_wait3A_91 = tpu.memref_slice %arg4[%add3A, %dma_wait3A_89, %dma_wait3A_90] : memref<32x80x128xi32, #tpu.memory_space<hbm>> -> memref<1x40x128xi32, #tpu.memory_space<hbm>>
      %dma_wait3A_92 = tpu.memref_squeeze %dma_wait3A_91 : memref<1x40x128xi32, #tpu.memory_space<hbm>> -> memref<40x128xi32, #tpu.memory_space<hbm>>
      tpu.wait_dma2 semaphore(%run_scoped3A_76 : memref<!tpu.dma_semaphore, #tpu.memory_space<semaphore_mem>>) src(%dma_wait3A_92 : memref<40x128xi32, #tpu.memory_space<hbm>>) dst(%arg8 : memref<40x128xi32, #tpu.memory_space<vmem>>)
      tpu.yield
    }) : () -> ()
    %dma_start3A = arith.constant 0 : i32
    %dma_start3A_3 = arith.constant 0 : i32
    %dma_start3A_4 = tpu.memref_slice %arg7[%dma_start3A, %dma_start3A_3] : memref<40x128xi32, #tpu.memory_space<vmem>> -> memref<1x128xi32, #tpu.memory_space<vmem>>
    %dma_start3A_5 = tpu.memref_squeeze %dma_start3A_4 : memref<1x128xi32, #tpu.memory_space<vmem>> -> memref<128xi32, #tpu.memory_space<vmem>>
    %dma_start3A_6 = arith.constant 0 : i32
    %dma_start3A_7 = arith.constant 0 : i32
    %dma_start3A_8 = tpu.memref_slice %arg2[%dma_start3A_6, %dma_start3A_7] : memref<10000x128xf32, #tpu.memory_space<hbm>> -> memref<10000x128xf32, #tpu.memory_space<hbm>>
    tpu.enqueue_indirect_dma source(%dma_start3A_8 : memref<10000x128xf32, #tpu.memory_space<hbm>>) target(%arg9 : memref<128x128xf32, #tpu.memory_space<vmem>>) offsets(%dma_start3A_5 : memref<128xi32, #tpu.memory_space<vmem>>) semaphore(%arg11 : memref<!tpu.dma_semaphore, #tpu.memory_space<semaphore_mem>>)
    %scan3A = arith.constant 0 : i32
    %scan3A_9 = arith.constant 0 : i32
    %scan3A_10 = arith.constant 19 : i32
    %scan3A_11 = arith.addi %scan3A_9, %scan3A_10 : i32
    %scan3A_12 = arith.constant 1 : i32
    scf.for %scan3A_76 = %scan3A_9 to %scan3A_11 step %scan3A_12  : i32 {
      %mul3A_77 = arith.constant 2 : i32
      %mul3A_78 = arith.muli %mul3A_77, %scan3A_76 : i32
      %dma_wait3A_79 = arith.constant 0 : i32
      %dma_wait3A_80 = tpu.memref_slice %arg7[%mul3A_78, %dma_wait3A_79] : memref<40x128xi32, #tpu.memory_space<vmem>> -> memref<1x128xi32, #tpu.memory_space<vmem>>
      %dma_wait3A_81 = tpu.memref_squeeze %dma_wait3A_80 : memref<1x128xi32, #tpu.memory_space<vmem>> -> memref<128xi32, #tpu.memory_space<vmem>>
      %dma_wait3A_82 = arith.constant 0 : i32
      %dma_wait3A_83 = arith.constant 0 : i32
      %dma_wait3A_84 = tpu.memref_slice %arg2[%dma_wait3A_82, %dma_wait3A_83] : memref<10000x128xf32, #tpu.memory_space<hbm>> -> memref<10000x128xf32, #tpu.memory_space<hbm>>
      tpu.wait_indirect_dma semaphore(%arg11 : memref<!tpu.dma_semaphore, #tpu.memory_space<semaphore_mem>>) src(%dma_wait3A_84 : memref<10000x128xf32, #tpu.memory_space<hbm>>) dst(%arg9 : memref<128x128xf32, #tpu.memory_space<vmem>>)
      %add3A_85 = arith.constant 1 : i32
      %add3A_86 = arith.addi %mul3A_78, %add3A_85 : i32
      %dma_start3A_87 = arith.constant 0 : i32
      %dma_start3A_88 = tpu.memref_slice %arg7[%add3A_86, %dma_start3A_87] : memref<40x128xi32, #tpu.memory_space<vmem>> -> memref<1x128xi32, #tpu.memory_space<vmem>>
      %dma_start3A_89 = tpu.memref_squeeze %dma_start3A_88 : memref<1x128xi32, #tpu.memory_space<vmem>> -> memref<128xi32, #tpu.memory_space<vmem>>
      %dma_start3A_90 = arith.constant 0 : i32
      %dma_start3A_91 = arith.constant 0 : i32
      %dma_start3A_92 = tpu.memref_slice %arg2[%dma_start3A_90, %dma_start3A_91] : memref<10000x128xf32, #tpu.memory_space<hbm>> -> memref<10000x128xf32, #tpu.memory_space<hbm>>
      tpu.enqueue_indirect_dma source(%dma_start3A_92 : memref<10000x128xf32, #tpu.memory_space<hbm>>) target(%arg10 : memref<128x128xf32, #tpu.memory_space<vmem>>) offsets(%dma_start3A_89 : memref<128xi32, #tpu.memory_space<vmem>>) semaphore(%arg12 : memref<!tpu.dma_semaphore, #tpu.memory_space<semaphore_mem>>)
      "tpu.region"() ({
        %run_scoped3A_111 = tpu.sem_alloc : memref<!tpu.dma_semaphore, #tpu.memory_space<semaphore_mem>>
        %dma_start3A_112 = arith.constant 0 : i32
        %dma_start3A_113 = tpu.memref_slice %arg8[%mul3A_78, %dma_start3A_112] : memref<40x128xi32, #tpu.memory_space<vmem>> -> memref<1x128xi32, #tpu.memory_space<vmem>>
        %dma_start3A_114 = tpu.memref_squeeze %dma_start3A_113 : memref<1x128xi32, #tpu.memory_space<vmem>> -> memref<128xi32, #tpu.memory_space<vmem>>
        %dma_start3A_115 = arith.constant 0 : i32
        %dma_start3A_116 = arith.constant 0 : i32
        %dma_start3A_117 = tpu.memref_slice %arg13[%dma_start3A_115, %dma_start3A_116] : memref<10240x128xf32, #tpu.memory_space<vmem_shared>> -> memref<10240x128xf32, #tpu.memory_space<vmem_shared>>
        tpu.enqueue_indirect_dma source(%arg9 : memref<128x128xf32, #tpu.memory_space<vmem>>) target(%dma_start3A_117 : memref<10240x128xf32, #tpu.memory_space<vmem_shared>>) offsets(%dma_start3A_114 : memref<128xi32, #tpu.memory_space<vmem>>) semaphore(%run_scoped3A_111 : memref<!tpu.dma_semaphore, #tpu.memory_space<semaphore_mem>>) {add = true}
        %dma_wait3A_118 = arith.constant 0 : i32
        %dma_wait3A_119 = tpu.memref_slice %arg8[%mul3A_78, %dma_wait3A_118] : memref<40x128xi32, #tpu.memory_space<vmem>> -> memref<1x128xi32, #tpu.memory_space<vmem>>
        %dma_wait3A_120 = tpu.memref_squeeze %dma_wait3A_119 : memref<1x128xi32, #tpu.memory_space<vmem>> -> memref<128xi32, #tpu.memory_space<vmem>>
        %dma_wait3A_121 = arith.constant 0 : i32
        %dma_wait3A_122 = arith.constant 0 : i32
        %dma_wait3A_123 = tpu.memref_slice %arg13[%dma_wait3A_121, %dma_wait3A_122] : memref<10240x128xf32, #tpu.memory_space<vmem_shared>> -> memref<10240x128xf32, #tpu.memory_space<vmem_shared>>
        tpu.wait_indirect_dma semaphore(%run_scoped3A_111 : memref<!tpu.dma_semaphore, #tpu.memory_space<semaphore_mem>>) src(%arg9 : memref<128x128xf32, #tpu.memory_space<vmem>>) dst(%dma_wait3A_123 : memref<10240x128xf32, #tpu.memory_space<vmem_shared>>)
        tpu.yield
      }) : () -> ()
      %add3A_93 = arith.constant 1 : i32
      %add3A_94 = arith.addi %mul3A_78, %add3A_93 : i32
      %dma_wait3A_95 = arith.constant 0 : i32
      %dma_wait3A_96 = tpu.memref_slice %arg7[%add3A_94, %dma_wait3A_95] : memref<40x128xi32, #tpu.memory_space<vmem>> -> memref<1x128xi32, #tpu.memory_space<vmem>>
      %dma_wait3A_97 = tpu.memref_squeeze %dma_wait3A_96 : memref<1x128xi32, #tpu.memory_space<vmem>> -> memref<128xi32, #tpu.memory_space<vmem>>
      %dma_wait3A_98 = arith.constant 0 : i32
      %dma_wait3A_99 = arith.constant 0 : i32
      %dma_wait3A_100 = tpu.memref_slice %arg2[%dma_wait3A_98, %dma_wait3A_99] : memref<10000x128xf32, #tpu.memory_space<hbm>> -> memref<10000x128xf32, #tpu.memory_space<hbm>>
      tpu.wait_indirect_dma semaphore(%arg12 : memref<!tpu.dma_semaphore, #tpu.memory_space<semaphore_mem>>) src(%dma_wait3A_100 : memref<10000x128xf32, #tpu.memory_space<hbm>>) dst(%arg10 : memref<128x128xf32, #tpu.memory_space<vmem>>)
      %add3A_101 = arith.constant 2 : i32
      %add3A_102 = arith.addi %mul3A_78, %add3A_101 : i32
      %dma_start3A_103 = arith.constant 0 : i32
      %dma_start3A_104 = tpu.memref_slice %arg7[%add3A_102, %dma_start3A_103] : memref<40x128xi32, #tpu.memory_space<vmem>> -> memref<1x128xi32, #tpu.memory_space<vmem>>
      %dma_start3A_105 = tpu.memref_squeeze %dma_start3A_104 : memref<1x128xi32, #tpu.memory_space<vmem>> -> memref<128xi32, #tpu.memory_space<vmem>>
      %dma_start3A_106 = arith.constant 0 : i32
      %dma_start3A_107 = arith.constant 0 : i32
      %dma_start3A_108 = tpu.memref_slice %arg2[%dma_start3A_106, %dma_start3A_107] : memref<10000x128xf32, #tpu.memory_space<hbm>> -> memref<10000x128xf32, #tpu.memory_space<hbm>>
      tpu.enqueue_indirect_dma source(%dma_start3A_108 : memref<10000x128xf32, #tpu.memory_space<hbm>>) target(%arg9 : memref<128x128xf32, #tpu.memory_space<vmem>>) offsets(%dma_start3A_105 : memref<128xi32, #tpu.memory_space<vmem>>) semaphore(%arg11 : memref<!tpu.dma_semaphore, #tpu.memory_space<semaphore_mem>>)
      %add3A_109 = arith.constant 1 : i32
      %add3A_110 = arith.addi %mul3A_78, %add3A_109 : i32
      "tpu.region"() ({
        %run_scoped3A_111 = tpu.sem_alloc : memref<!tpu.dma_semaphore, #tpu.memory_space<semaphore_mem>>
        %dma_start3A_112 = arith.constant 0 : i32
        %dma_start3A_113 = tpu.memref_slice %arg8[%add3A_110, %dma_start3A_112] : memref<40x128xi32, #tpu.memory_space<vmem>> -> memref<1x128xi32, #tpu.memory_space<vmem>>
        %dma_start3A_114 = tpu.memref_squeeze %dma_start3A_113 : memref<1x128xi32, #tpu.memory_space<vmem>> -> memref<128xi32, #tpu.memory_space<vmem>>
        %dma_start3A_115 = arith.constant 0 : i32
        %dma_start3A_116 = arith.constant 0 : i32
        %dma_start3A_117 = tpu.memref_slice %arg13[%dma_start3A_115, %dma_start3A_116] : memref<10240x128xf32, #tpu.memory_space<vmem_shared>> -> memref<10240x128xf32, #tpu.memory_space<vmem_shared>>
        tpu.enqueue_indirect_dma source(%arg10 : memref<128x128xf32, #tpu.memory_space<vmem>>) target(%dma_start3A_117 : memref<10240x128xf32, #tpu.memory_space<vmem_shared>>) offsets(%dma_start3A_114 : memref<128xi32, #tpu.memory_space<vmem>>) semaphore(%run_scoped3A_111 : memref<!tpu.dma_semaphore, #tpu.memory_space<semaphore_mem>>) {add = true}
        %dma_wait3A_118 = arith.constant 0 : i32
        %dma_wait3A_119 = tpu.memref_slice %arg8[%add3A_110, %dma_wait3A_118] : memref<40x128xi32, #tpu.memory_space<vmem>> -> memref<1x128xi32, #tpu.memory_space<vmem>>
        %dma_wait3A_120 = tpu.memref_squeeze %dma_wait3A_119 : memref<1x128xi32, #tpu.memory_space<vmem>> -> memref<128xi32, #tpu.memory_space<vmem>>
        %dma_wait3A_121 = arith.constant 0 : i32
        %dma_wait3A_122 = arith.constant 0 : i32
        %dma_wait3A_123 = tpu.memref_slice %arg13[%dma_wait3A_121, %dma_wait3A_122] : memref<10240x128xf32, #tpu.memory_space<vmem_shared>> -> memref<10240x128xf32, #tpu.memory_space<vmem_shared>>
        tpu.wait_indirect_dma semaphore(%run_scoped3A_111 : memref<!tpu.dma_semaphore, #tpu.memory_space<semaphore_mem>>) src(%arg10 : memref<128x128xf32, #tpu.memory_space<vmem>>) dst(%dma_wait3A_123 : memref<10240x128xf32, #tpu.memory_space<vmem_shared>>)
        tpu.yield
      }) : () -> ()
    }
    %scan3A_13 = arith.constant 19 : i32
    %dma_wait3A = arith.constant 38 : i32
    %dma_wait3A_14 = arith.constant 0 : i32
    %dma_wait3A_15 = tpu.memref_slice %arg7[%dma_wait3A, %dma_wait3A_14] : memref<40x128xi32, #tpu.memory_space<vmem>> -> memref<1x128xi32, #tpu.memory_space<vmem>>
    %dma_wait3A_16 = tpu.memref_squeeze %dma_wait3A_15 : memref<1x128xi32, #tpu.memory_space<vmem>> -> memref<128xi32, #tpu.memory_space<vmem>>
    %dma_wait3A_17 = arith.constant 0 : i32
    %dma_wait3A_18 = arith.constant 0 : i32
    %dma_wait3A_19 = tpu.memref_slice %arg2[%dma_wait3A_17, %dma_wait3A_18] : memref<10000x128xf32, #tpu.memory_space<hbm>> -> memref<10000x128xf32, #tpu.memory_space<hbm>>
    tpu.wait_indirect_dma semaphore(%arg11 : memref<!tpu.dma_semaphore, #tpu.memory_space<semaphore_mem>>) src(%dma_wait3A_19 : memref<10000x128xf32, #tpu.memory_space<hbm>>) dst(%arg9 : memref<128x128xf32, #tpu.memory_space<vmem>>)
    %dma_start3A_20 = arith.constant 39 : i32
    %dma_start3A_21 = arith.constant 0 : i32
    %dma_start3A_22 = tpu.memref_slice %arg7[%dma_start3A_20, %dma_start3A_21] : memref<40x128xi32, #tpu.memory_space<vmem>> -> memref<1x128xi32, #tpu.memory_space<vmem>>
    %dma_start3A_23 = tpu.memref_squeeze %dma_start3A_22 : memref<1x128xi32, #tpu.memory_space<vmem>> -> memref<128xi32, #tpu.memory_space<vmem>>
    %dma_start3A_24 = arith.constant 0 : i32
    %dma_start3A_25 = arith.constant 0 : i32
    %dma_start3A_26 = tpu.memref_slice %arg2[%dma_start3A_24, %dma_start3A_25] : memref<10000x128xf32, #tpu.memory_space<hbm>> -> memref<10000x128xf32, #tpu.memory_space<hbm>>
    tpu.enqueue_indirect_dma source(%dma_start3A_26 : memref<10000x128xf32, #tpu.memory_space<hbm>>) target(%arg10 : memref<128x128xf32, #tpu.memory_space<vmem>>) offsets(%dma_start3A_23 : memref<128xi32, #tpu.memory_space<vmem>>) semaphore(%arg12 : memref<!tpu.dma_semaphore, #tpu.memory_space<semaphore_mem>>)
    %run_scoped3A = arith.constant 38 : i32
    "tpu.region"() ({
      %run_scoped3A_76 = tpu.sem_alloc : memref<!tpu.dma_semaphore, #tpu.memory_space<semaphore_mem>>
      %dma_start3A_77 = arith.constant 0 : i32
      %dma_start3A_78 = tpu.memref_slice %arg8[%run_scoped3A, %dma_start3A_77] : memref<40x128xi32, #tpu.memory_space<vmem>> -> memref<1x128xi32, #tpu.memory_space<vmem>>
      %dma_start3A_79 = tpu.memref_squeeze %dma_start3A_78 : memref<1x128xi32, #tpu.memory_space<vmem>> -> memref<128xi32, #tpu.memory_space<vmem>>
      %dma_start3A_80 = arith.constant 0 : i32
      %dma_start3A_81 = arith.constant 0 : i32
      %dma_start3A_82 = tpu.memref_slice %arg13[%dma_start3A_80, %dma_start3A_81] : memref<10240x128xf32, #tpu.memory_space<vmem_shared>> -> memref<10240x128xf32, #tpu.memory_space<vmem_shared>>
      tpu.enqueue_indirect_dma source(%arg9 : memref<128x128xf32, #tpu.memory_space<vmem>>) target(%dma_start3A_82 : memref<10240x128xf32, #tpu.memory_space<vmem_shared>>) offsets(%dma_start3A_79 : memref<128xi32, #tpu.memory_space<vmem>>) semaphore(%run_scoped3A_76 : memref<!tpu.dma_semaphore, #tpu.memory_space<semaphore_mem>>) {add = true}
      %dma_wait3A_83 = arith.constant 0 : i32
      %dma_wait3A_84 = tpu.memref_slice %arg8[%run_scoped3A, %dma_wait3A_83] : memref<40x128xi32, #tpu.memory_space<vmem>> -> memref<1x128xi32, #tpu.memory_space<vmem>>
      %dma_wait3A_85 = tpu.memref_squeeze %dma_wait3A_84 : memref<1x128xi32, #tpu.memory_space<vmem>> -> memref<128xi32, #tpu.memory_space<vmem>>
      %dma_wait3A_86 = arith.constant 0 : i32
      %dma_wait3A_87 = arith.constant 0 : i32
      %dma_wait3A_88 = tpu.memref_slice %arg13[%dma_wait3A_86, %dma_wait3A_87] : memref<10240x128xf32, #tpu.memory_space<vmem_shared>> -> memref<10240x128xf32, #tpu.memory_space<vmem_shared>>
      tpu.wait_indirect_dma semaphore(%run_scoped3A_76 : memref<!tpu.dma_semaphore, #tpu.memory_space<semaphore_mem>>) src(%arg9 : memref<128x128xf32, #tpu.memory_space<vmem>>) dst(%dma_wait3A_88 : memref<10240x128xf32, #tpu.memory_space<vmem_shared>>)
      tpu.yield
    }) : () -> ()
    %dma_wait3A_27 = arith.constant 39 : i32
    %dma_wait3A_28 = arith.constant 0 : i32
    %dma_wait3A_29 = tpu.memref_slice %arg7[%dma_wait3A_27, %dma_wait3A_28] : memref<40x128xi32, #tpu.memory_space<vmem>> -> memref<1x128xi32, #tpu.memory_space<vmem>>
    %dma_wait3A_30 = tpu.memref_squeeze %dma_wait3A_29 : memref<1x128xi32, #tpu.memory_space<vmem>> -> memref<128xi32, #tpu.memory_space<vmem>>
    %dma_wait3A_31 = arith.constant 0 : i32
    %dma_wait3A_32 = arith.constant 0 : i32
    %dma_wait3A_33 = tpu.memref_slice %arg2[%dma_wait3A_31, %dma_wait3A_32] : memref<10000x128xf32, #tpu.memory_space<hbm>> -> memref<10000x128xf32, #tpu.memory_space<hbm>>
    tpu.wait_indirect_dma semaphore(%arg12 : memref<!tpu.dma_semaphore, #tpu.memory_space<semaphore_mem>>) src(%dma_wait3A_33 : memref<10000x128xf32, #tpu.memory_space<hbm>>) dst(%arg10 : memref<128x128xf32, #tpu.memory_space<vmem>>)
    %run_scoped3A_34 = arith.constant 39 : i32
    "tpu.region"() ({
      %run_scoped3A_76 = tpu.sem_alloc : memref<!tpu.dma_semaphore, #tpu.memory_space<semaphore_mem>>
      %dma_start3A_77 = arith.constant 0 : i32
      %dma_start3A_78 = tpu.memref_slice %arg8[%run_scoped3A_34, %dma_start3A_77] : memref<40x128xi32, #tpu.memory_space<vmem>> -> memref<1x128xi32, #tpu.memory_space<vmem>>
      %dma_start3A_79 = tpu.memref_squeeze %dma_start3A_78 : memref<1x128xi32, #tpu.memory_space<vmem>> -> memref<128xi32, #tpu.memory_space<vmem>>
      %dma_start3A_80 = arith.constant 0 : i32
      %dma_start3A_81 = arith.constant 0 : i32
      %dma_start3A_82 = tpu.memref_slice %arg13[%dma_start3A_80, %dma_start3A_81] : memref<10240x128xf32, #tpu.memory_space<vmem_shared>> -> memref<10240x128xf32, #tpu.memory_space<vmem_shared>>
      tpu.enqueue_indirect_dma source(%arg10 : memref<128x128xf32, #tpu.memory_space<vmem>>) target(%dma_start3A_82 : memref<10240x128xf32, #tpu.memory_space<vmem_shared>>) offsets(%dma_start3A_79 : memref<128xi32, #tpu.memory_space<vmem>>) semaphore(%run_scoped3A_76 : memref<!tpu.dma_semaphore, #tpu.memory_space<semaphore_mem>>) {add = true}
      %dma_wait3A_83 = arith.constant 0 : i32
      %dma_wait3A_84 = tpu.memref_slice %arg8[%run_scoped3A_34, %dma_wait3A_83] : memref<40x128xi32, #tpu.memory_space<vmem>> -> memref<1x128xi32, #tpu.memory_space<vmem>>
      %dma_wait3A_85 = tpu.memref_squeeze %dma_wait3A_84 : memref<1x128xi32, #tpu.memory_space<vmem>> -> memref<128xi32, #tpu.memory_space<vmem>>
      %dma_wait3A_86 = arith.constant 0 : i32
      %dma_wait3A_87 = arith.constant 0 : i32
      %dma_wait3A_88 = tpu.memref_slice %arg13[%dma_wait3A_86, %dma_wait3A_87] : memref<10240x128xf32, #tpu.memory_space<vmem_shared>> -> memref<10240x128xf32, #tpu.memory_space<vmem_shared>>
      tpu.wait_indirect_dma semaphore(%run_scoped3A_76 : memref<!tpu.dma_semaphore, #tpu.memory_space<semaphore_mem>>) src(%arg10 : memref<128x128xf32, #tpu.memory_space<vmem>>) dst(%dma_wait3A_88 : memref<10240x128xf32, #tpu.memory_space<vmem_shared>>)
      tpu.yield
    }) : () -> ()
    "tpu.region"() ({
      %run_scoped3A_76 = tpu.sem_alloc : memref<!tpu.dma_semaphore, #tpu.memory_space<semaphore_mem>>
      %dma_start3A_77 = arith.constant 40 : i32
      %dma_start3A_78 = arith.constant 0 : i32
      %dma_start3A_79 = tpu.memref_slice %arg3[%add3A, %dma_start3A_77, %dma_start3A_78] : memref<32x80x128xi32, #tpu.memory_space<hbm>> -> memref<1x40x128xi32, #tpu.memory_space<hbm>>
      %dma_start3A_80 = tpu.memref_squeeze %dma_start3A_79 : memref<1x40x128xi32, #tpu.memory_space<hbm>> -> memref<40x128xi32, #tpu.memory_space<hbm>>
      %dma_start3A_81 = arith.constant 40 : i32
      %dma_start3A_82 = arith.constant 0 : i32
      %dma_start3A_83 = tpu.memref_slice %arg3[%add3A, %dma_start3A_81, %dma_start3A_82] : memref<32x80x128xi32, #tpu.memory_space<hbm>> -> memref<1x40x128xi32, #tpu.memory_space<hbm>>
      %dma_start3A_84 = tpu.memref_squeeze %dma_start3A_83 : memref<1x40x128xi32, #tpu.memory_space<hbm>> -> memref<40x128xi32, #tpu.memory_space<hbm>>
      tpu.enqueue_dma source(%dma_start3A_84 : memref<40x128xi32, #tpu.memory_space<hbm>>) target(%arg7 : memref<40x128xi32, #tpu.memory_space<vmem>>) target_semaphore(%run_scoped3A_76 : memref<!tpu.dma_semaphore, #tpu.memory_space<semaphore_mem>>)
      %dma_wait3A_85 = arith.constant 40 : i32
      %dma_wait3A_86 = arith.constant 0 : i32
      %dma_wait3A_87 = tpu.memref_slice %arg3[%add3A, %dma_wait3A_85, %dma_wait3A_86] : memref<32x80x128xi32, #tpu.memory_space<hbm>> -> memref<1x40x128xi32, #tpu.memory_space<hbm>>
      %dma_wait3A_88 = tpu.memref_squeeze %dma_wait3A_87 : memref<1x40x128xi32, #tpu.memory_space<hbm>> -> memref<40x128xi32, #tpu.memory_space<hbm>>
      %dma_wait3A_89 = arith.constant 40 : i32
      %dma_wait3A_90 = arith.constant 0 : i32
      %dma_wait3A_91 = tpu.memref_slice %arg3[%add3A, %dma_wait3A_89, %dma_wait3A_90] : memref<32x80x128xi32, #tpu.memory_space<hbm>> -> memref<1x40x128xi32, #tpu.memory_space<hbm>>
      %dma_wait3A_92 = tpu.memref_squeeze %dma_wait3A_91 : memref<1x40x128xi32, #tpu.memory_space<hbm>> -> memref<40x128xi32, #tpu.memory_space<hbm>>
      tpu.wait_dma2 semaphore(%run_scoped3A_76 : memref<!tpu.dma_semaphore, #tpu.memory_space<semaphore_mem>>) src(%dma_wait3A_92 : memref<40x128xi32, #tpu.memory_space<hbm>>) dst(%arg7 : memref<40x128xi32, #tpu.memory_space<vmem>>)
      tpu.yield
    }) : () -> ()
    "tpu.region"() ({
      %run_scoped3A_76 = tpu.sem_alloc : memref<!tpu.dma_semaphore, #tpu.memory_space<semaphore_mem>>
      %dma_start3A_77 = arith.constant 40 : i32
      %dma_start3A_78 = arith.constant 0 : i32
      %dma_start3A_79 = tpu.memref_slice %arg4[%add3A, %dma_start3A_77, %dma_start3A_78] : memref<32x80x128xi32, #tpu.memory_space<hbm>> -> memref<1x40x128xi32, #tpu.memory_space<hbm>>
      %dma_start3A_80 = tpu.memref_squeeze %dma_start3A_79 : memref<1x40x128xi32, #tpu.memory_space<hbm>> -> memref<40x128xi32, #tpu.memory_space<hbm>>
      %dma_start3A_81 = arith.constant 40 : i32
      %dma_start3A_82 = arith.constant 0 : i32
      %dma_start3A_83 = tpu.memref_slice %arg4[%add3A, %dma_start3A_81, %dma_start3A_82] : memref<32x80x128xi32, #tpu.memory_space<hbm>> -> memref<1x40x128xi32, #tpu.memory_space<hbm>>
      %dma_start3A_84 = tpu.memref_squeeze %dma_start3A_83 : memref<1x40x128xi32, #tpu.memory_space<hbm>> -> memref<40x128xi32, #tpu.memory_space<hbm>>
      tpu.enqueue_dma source(%dma_start3A_84 : memref<40x128xi32, #tpu.memory_space<hbm>>) target(%arg8 : memref<40x128xi32, #tpu.memory_space<vmem>>) target_semaphore(%run_scoped3A_76 : memref<!tpu.dma_semaphore, #tpu.memory_space<semaphore_mem>>)
      %dma_wait3A_85 = arith.constant 40 : i32
      %dma_wait3A_86 = arith.constant 0 : i32
      %dma_wait3A_87 = tpu.memref_slice %arg4[%add3A, %dma_wait3A_85, %dma_wait3A_86] : memref<32x80x128xi32, #tpu.memory_space<hbm>> -> memref<1x40x128xi32, #tpu.memory_space<hbm>>
      %dma_wait3A_88 = tpu.memref_squeeze %dma_wait3A_87 : memref<1x40x128xi32, #tpu.memory_space<hbm>> -> memref<40x128xi32, #tpu.memory_space<hbm>>
      %dma_wait3A_89 = arith.constant 40 : i32
      %dma_wait3A_90 = arith.constant 0 : i32
      %dma_wait3A_91 = tpu.memref_slice %arg4[%add3A, %dma_wait3A_89, %dma_wait3A_90] : memref<32x80x128xi32, #tpu.memory_space<hbm>> -> memref<1x40x128xi32, #tpu.memory_space<hbm>>
      %dma_wait3A_92 = tpu.memref_squeeze %dma_wait3A_91 : memref<1x40x128xi32, #tpu.memory_space<hbm>> -> memref<40x128xi32, #tpu.memory_space<hbm>>
      tpu.wait_dma2 semaphore(%run_scoped3A_76 : memref<!tpu.dma_semaphore, #tpu.memory_space<semaphore_mem>>) src(%dma_wait3A_92 : memref<40x128xi32, #tpu.memory_space<hbm>>) dst(%arg8 : memref<40x128xi32, #tpu.memory_space<vmem>>)
      tpu.yield
    }) : () -> ()
    %dma_start3A_35 = arith.constant 0 : i32
    %dma_start3A_36 = arith.constant 0 : i32
    %dma_start3A_37 = tpu.memref_slice %arg7[%dma_start3A_35, %dma_start3A_36] : memref<40x128xi32, #tpu.memory_space<vmem>> -> memref<1x128xi32, #tpu.memory_space<vmem>>
    %dma_start3A_38 = tpu.memref_squeeze %dma_start3A_37 : memref<1x128xi32, #tpu.memory_space<vmem>> -> memref<128xi32, #tpu.memory_space<vmem>>
    %dma_start3A_39 = arith.constant 0 : i32
    %dma_start3A_40 = arith.constant 0 : i32
    %dma_start3A_41 = tpu.memref_slice %arg2[%dma_start3A_39, %dma_start3A_40] : memref<10000x128xf32, #tpu.memory_space<hbm>> -> memref<10000x128xf32, #tpu.memory_space<hbm>>
    tpu.enqueue_indirect_dma source(%dma_start3A_41 : memref<10000x128xf32, #tpu.memory_space<hbm>>) target(%arg9 : memref<128x128xf32, #tpu.memory_space<vmem>>) offsets(%dma_start3A_38 : memref<128xi32, #tpu.memory_space<vmem>>) semaphore(%arg11 : memref<!tpu.dma_semaphore, #tpu.memory_space<semaphore_mem>>)
    %scan3A_42 = arith.constant 0 : i32
    %scan3A_43 = arith.constant 0 : i32
    %scan3A_44 = arith.constant 19 : i32
    %scan3A_45 = arith.addi %scan3A_43, %scan3A_44 : i32
    %scan3A_46 = arith.constant 1 : i32
    scf.for %scan3A_76 = %scan3A_43 to %scan3A_45 step %scan3A_46  : i32 {
      %mul3A_77 = arith.constant 2 : i32
      %mul3A_78 = arith.muli %mul3A_77, %scan3A_76 : i32
      %dma_wait3A_79 = arith.constant 0 : i32
      %dma_wait3A_80 = tpu.memref_slice %arg7[%mul3A_78, %dma_wait3A_79] : memref<40x128xi32, #tpu.memory_space<vmem>> -> memref<1x128xi32, #tpu.memory_space<vmem>>
      %dma_wait3A_81 = tpu.memref_squeeze %dma_wait3A_80 : memref<1x128xi32, #tpu.memory_space<vmem>> -> memref<128xi32, #tpu.memory_space<vmem>>
      %dma_wait3A_82 = arith.constant 0 : i32
      %dma_wait3A_83 = arith.constant 0 : i32
      %dma_wait3A_84 = tpu.memref_slice %arg2[%dma_wait3A_82, %dma_wait3A_83] : memref<10000x128xf32, #tpu.memory_space<hbm>> -> memref<10000x128xf32, #tpu.memory_space<hbm>>
      tpu.wait_indirect_dma semaphore(%arg11 : memref<!tpu.dma_semaphore, #tpu.memory_space<semaphore_mem>>) src(%dma_wait3A_84 : memref<10000x128xf32, #tpu.memory_space<hbm>>) dst(%arg9 : memref<128x128xf32, #tpu.memory_space<vmem>>)
      %add3A_85 = arith.constant 1 : i32
      %add3A_86 = arith.addi %mul3A_78, %add3A_85 : i32
      %dma_start3A_87 = arith.constant 0 : i32
      %dma_start3A_88 = tpu.memref_slice %arg7[%add3A_86, %dma_start3A_87] : memref<40x128xi32, #tpu.memory_space<vmem>> -> memref<1x128xi32, #tpu.memory_space<vmem>>
      %dma_start3A_89 = tpu.memref_squeeze %dma_start3A_88 : memref<1x128xi32, #tpu.memory_space<vmem>> -> memref<128xi32, #tpu.memory_space<vmem>>
      %dma_start3A_90 = arith.constant 0 : i32
      %dma_start3A_91 = arith.constant 0 : i32
      %dma_start3A_92 = tpu.memref_slice %arg2[%dma_start3A_90, %dma_start3A_91] : memref<10000x128xf32, #tpu.memory_space<hbm>> -> memref<10000x128xf32, #tpu.memory_space<hbm>>
      tpu.enqueue_indirect_dma source(%dma_start3A_92 : memref<10000x128xf32, #tpu.memory_space<hbm>>) target(%arg10 : memref<128x128xf32, #tpu.memory_space<vmem>>) offsets(%dma_start3A_89 : memref<128xi32, #tpu.memory_space<vmem>>) semaphore(%arg12 : memref<!tpu.dma_semaphore, #tpu.memory_space<semaphore_mem>>)
      "tpu.region"() ({
        %run_scoped3A_111 = tpu.sem_alloc : memref<!tpu.dma_semaphore, #tpu.memory_space<semaphore_mem>>
        %dma_start3A_112 = arith.constant 0 : i32
        %dma_start3A_113 = tpu.memref_slice %arg8[%mul3A_78, %dma_start3A_112] : memref<40x128xi32, #tpu.memory_space<vmem>> -> memref<1x128xi32, #tpu.memory_space<vmem>>
        %dma_start3A_114 = tpu.memref_squeeze %dma_start3A_113 : memref<1x128xi32, #tpu.memory_space<vmem>> -> memref<128xi32, #tpu.memory_space<vmem>>
        %dma_start3A_115 = arith.constant 0 : i32
        %dma_start3A_116 = arith.constant 0 : i32
        %dma_start3A_117 = tpu.memref_slice %arg13[%dma_start3A_115, %dma_start3A_116] : memref<10240x128xf32, #tpu.memory_space<vmem_shared>> -> memref<10240x128xf32, #tpu.memory_space<vmem_shared>>
        tpu.enqueue_indirect_dma source(%arg9 : memref<128x128xf32, #tpu.memory_space<vmem>>) target(%dma_start3A_117 : memref<10240x128xf32, #tpu.memory_space<vmem_shared>>) offsets(%dma_start3A_114 : memref<128xi32, #tpu.memory_space<vmem>>) semaphore(%run_scoped3A_111 : memref<!tpu.dma_semaphore, #tpu.memory_space<semaphore_mem>>) {add = true}
        %dma_wait3A_118 = arith.constant 0 : i32
        %dma_wait3A_119 = tpu.memref_slice %arg8[%mul3A_78, %dma_wait3A_118] : memref<40x128xi32, #tpu.memory_space<vmem>> -> memref<1x128xi32, #tpu.memory_space<vmem>>
        %dma_wait3A_120 = tpu.memref_squeeze %dma_wait3A_119 : memref<1x128xi32, #tpu.memory_space<vmem>> -> memref<128xi32, #tpu.memory_space<vmem>>
        %dma_wait3A_121 = arith.constant 0 : i32
        %dma_wait3A_122 = arith.constant 0 : i32
        %dma_wait3A_123 = tpu.memref_slice %arg13[%dma_wait3A_121, %dma_wait3A_122] : memref<10240x128xf32, #tpu.memory_space<vmem_shared>> -> memref<10240x128xf32, #tpu.memory_space<vmem_shared>>
        tpu.wait_indirect_dma semaphore(%run_scoped3A_111 : memref<!tpu.dma_semaphore, #tpu.memory_space<semaphore_mem>>) src(%arg9 : memref<128x128xf32, #tpu.memory_space<vmem>>) dst(%dma_wait3A_123 : memref<10240x128xf32, #tpu.memory_space<vmem_shared>>)
        tpu.yield
      }) : () -> ()
      %add3A_93 = arith.constant 1 : i32
      %add3A_94 = arith.addi %mul3A_78, %add3A_93 : i32
      %dma_wait3A_95 = arith.constant 0 : i32
      %dma_wait3A_96 = tpu.memref_slice %arg7[%add3A_94, %dma_wait3A_95] : memref<40x128xi32, #tpu.memory_space<vmem>> -> memref<1x128xi32, #tpu.memory_space<vmem>>
      %dma_wait3A_97 = tpu.memref_squeeze %dma_wait3A_96 : memref<1x128xi32, #tpu.memory_space<vmem>> -> memref<128xi32, #tpu.memory_space<vmem>>
      %dma_wait3A_98 = arith.constant 0 : i32
      %dma_wait3A_99 = arith.constant 0 : i32
      %dma_wait3A_100 = tpu.memref_slice %arg2[%dma_wait3A_98, %dma_wait3A_99] : memref<10000x128xf32, #tpu.memory_space<hbm>> -> memref<10000x128xf32, #tpu.memory_space<hbm>>
      tpu.wait_indirect_dma semaphore(%arg12 : memref<!tpu.dma_semaphore, #tpu.memory_space<semaphore_mem>>) src(%dma_wait3A_100 : memref<10000x128xf32, #tpu.memory_space<hbm>>) dst(%arg10 : memref<128x128xf32, #tpu.memory_space<vmem>>)
      %add3A_101 = arith.constant 2 : i32
      %add3A_102 = arith.addi %mul3A_78, %add3A_101 : i32
      %dma_start3A_103 = arith.constant 0 : i32
      %dma_start3A_104 = tpu.memref_slice %arg7[%add3A_102, %dma_start3A_103] : memref<40x128xi32, #tpu.memory_space<vmem>> -> memref<1x128xi32, #tpu.memory_space<vmem>>
      %dma_start3A_105 = tpu.memref_squeeze %dma_start3A_104 : memref<1x128xi32, #tpu.memory_space<vmem>> -> memref<128xi32, #tpu.memory_space<vmem>>
      %dma_start3A_106 = arith.constant 0 : i32
      %dma_start3A_107 = arith.constant 0 : i32
      %dma_start3A_108 = tpu.memref_slice %arg2[%dma_start3A_106, %dma_start3A_107] : memref<10000x128xf32, #tpu.memory_space<hbm>> -> memref<10000x128xf32, #tpu.memory_space<hbm>>
      tpu.enqueue_indirect_dma source(%dma_start3A_108 : memref<10000x128xf32, #tpu.memory_space<hbm>>) target(%arg9 : memref<128x128xf32, #tpu.memory_space<vmem>>) offsets(%dma_start3A_105 : memref<128xi32, #tpu.memory_space<vmem>>) semaphore(%arg11 : memref<!tpu.dma_semaphore, #tpu.memory_space<semaphore_mem>>)
      %add3A_109 = arith.constant 1 : i32
      %add3A_110 = arith.addi %mul3A_78, %add3A_109 : i32
      "tpu.region"() ({
        %run_scoped3A_111 = tpu.sem_alloc : memref<!tpu.dma_semaphore, #tpu.memory_space<semaphore_mem>>
        %dma_start3A_112 = arith.constant 0 : i32
        %dma_start3A_113 = tpu.memref_slice %arg8[%add3A_110, %dma_start3A_112] : memref<40x128xi32, #tpu.memory_space<vmem>> -> memref<1x128xi32, #tpu.memory_space<vmem>>
        %dma_start3A_114 = tpu.memref_squeeze %dma_start3A_113 : memref<1x128xi32, #tpu.memory_space<vmem>> -> memref<128xi32, #tpu.memory_space<vmem>>
        %dma_start3A_115 = arith.constant 0 : i32
        %dma_start3A_116 = arith.constant 0 : i32
        %dma_start3A_117 = tpu.memref_slice %arg13[%dma_start3A_115, %dma_start3A_116] : memref<10240x128xf32, #tpu.memory_space<vmem_shared>> -> memref<10240x128xf32, #tpu.memory_space<vmem_shared>>
        tpu.enqueue_indirect_dma source(%arg10 : memref<128x128xf32, #tpu.memory_space<vmem>>) target(%dma_start3A_117 : memref<10240x128xf32, #tpu.memory_space<vmem_shared>>) offsets(%dma_start3A_114 : memref<128xi32, #tpu.memory_space<vmem>>) semaphore(%run_scoped3A_111 : memref<!tpu.dma_semaphore, #tpu.memory_space<semaphore_mem>>) {add = true}
        %dma_wait3A_118 = arith.constant 0 : i32
        %dma_wait3A_119 = tpu.memref_slice %arg8[%add3A_110, %dma_wait3A_118] : memref<40x128xi32, #tpu.memory_space<vmem>> -> memref<1x128xi32, #tpu.memory_space<vmem>>
        %dma_wait3A_120 = tpu.memref_squeeze %dma_wait3A_119 : memref<1x128xi32, #tpu.memory_space<vmem>> -> memref<128xi32, #tpu.memory_space<vmem>>
        %dma_wait3A_121 = arith.constant 0 : i32
        %dma_wait3A_122 = arith.constant 0 : i32
        %dma_wait3A_123 = tpu.memref_slice %arg13[%dma_wait3A_121, %dma_wait3A_122] : memref<10240x128xf32, #tpu.memory_space<vmem_shared>> -> memref<10240x128xf32, #tpu.memory_space<vmem_shared>>
        tpu.wait_indirect_dma semaphore(%run_scoped3A_111 : memref<!tpu.dma_semaphore, #tpu.memory_space<semaphore_mem>>) src(%arg10 : memref<128x128xf32, #tpu.memory_space<vmem>>) dst(%dma_wait3A_123 : memref<10240x128xf32, #tpu.memory_space<vmem_shared>>)
        tpu.yield
      }) : () -> ()
    }
    %scan3A_47 = arith.constant 19 : i32
    %dma_wait3A_48 = arith.constant 38 : i32
    %dma_wait3A_49 = arith.constant 0 : i32
    %dma_wait3A_50 = tpu.memref_slice %arg7[%dma_wait3A_48, %dma_wait3A_49] : memref<40x128xi32, #tpu.memory_space<vmem>> -> memref<1x128xi32, #tpu.memory_space<vmem>>
    %dma_wait3A_51 = tpu.memref_squeeze %dma_wait3A_50 : memref<1x128xi32, #tpu.memory_space<vmem>> -> memref<128xi32, #tpu.memory_space<vmem>>
    %dma_wait3A_52 = arith.constant 0 : i32
    %dma_wait3A_53 = arith.constant 0 : i32
    %dma_wait3A_54 = tpu.memref_slice %arg2[%dma_wait3A_52, %dma_wait3A_53] : memref<10000x128xf32, #tpu.memory_space<hbm>> -> memref<10000x128xf32, #tpu.memory_space<hbm>>
    tpu.wait_indirect_dma semaphore(%arg11 : memref<!tpu.dma_semaphore, #tpu.memory_space<semaphore_mem>>) src(%dma_wait3A_54 : memref<10000x128xf32, #tpu.memory_space<hbm>>) dst(%arg9 : memref<128x128xf32, #tpu.memory_space<vmem>>)
    %dma_start3A_55 = arith.constant 39 : i32
    %dma_start3A_56 = arith.constant 0 : i32
    %dma_start3A_57 = tpu.memref_slice %arg7[%dma_start3A_55, %dma_start3A_56] : memref<40x128xi32, #tpu.memory_space<vmem>> -> memref<1x128xi32, #tpu.memory_space<vmem>>
    %dma_start3A_58 = tpu.memref_squeeze %dma_start3A_57 : memref<1x128xi32, #tpu.memory_space<vmem>> -> memref<128xi32, #tpu.memory_space<vmem>>
    %dma_start3A_59 = arith.constant 0 : i32
    %dma_start3A_60 = arith.constant 0 : i32
    %dma_start3A_61 = tpu.memref_slice %arg2[%dma_start3A_59, %dma_start3A_60] : memref<10000x128xf32, #tpu.memory_space<hbm>> -> memref<10000x128xf32, #tpu.memory_space<hbm>>
    tpu.enqueue_indirect_dma source(%dma_start3A_61 : memref<10000x128xf32, #tpu.memory_space<hbm>>) target(%arg10 : memref<128x128xf32, #tpu.memory_space<vmem>>) offsets(%dma_start3A_58 : memref<128xi32, #tpu.memory_space<vmem>>) semaphore(%arg12 : memref<!tpu.dma_semaphore, #tpu.memory_space<semaphore_mem>>)
    %run_scoped3A_62 = arith.constant 38 : i32
    "tpu.region"() ({
      %run_scoped3A_76 = tpu.sem_alloc : memref<!tpu.dma_semaphore, #tpu.memory_space<semaphore_mem>>
      %dma_start3A_77 = arith.constant 0 : i32
      %dma_start3A_78 = tpu.memref_slice %arg8[%run_scoped3A_62, %dma_start3A_77] : memref<40x128xi32, #tpu.memory_space<vmem>> -> memref<1x128xi32, #tpu.memory_space<vmem>>
      %dma_start3A_79 = tpu.memref_squeeze %dma_start3A_78 : memref<1x128xi32, #tpu.memory_space<vmem>> -> memref<128xi32, #tpu.memory_space<vmem>>
      %dma_start3A_80 = arith.constant 0 : i32
      %dma_start3A_81 = arith.constant 0 : i32
      %dma_start3A_82 = tpu.memref_slice %arg13[%dma_start3A_80, %dma_start3A_81] : memref<10240x128xf32, #tpu.memory_space<vmem_shared>> -> memref<10240x128xf32, #tpu.memory_space<vmem_shared>>
      tpu.enqueue_indirect_dma source(%arg9 : memref<128x128xf32, #tpu.memory_space<vmem>>) target(%dma_start3A_82 : memref<10240x128xf32, #tpu.memory_space<vmem_shared>>) offsets(%dma_start3A_79 : memref<128xi32, #tpu.memory_space<vmem>>) semaphore(%run_scoped3A_76 : memref<!tpu.dma_semaphore, #tpu.memory_space<semaphore_mem>>) {add = true}
      %dma_wait3A_83 = arith.constant 0 : i32
      %dma_wait3A_84 = tpu.memref_slice %arg8[%run_scoped3A_62, %dma_wait3A_83] : memref<40x128xi32, #tpu.memory_space<vmem>> -> memref<1x128xi32, #tpu.memory_space<vmem>>
      %dma_wait3A_85 = tpu.memref_squeeze %dma_wait3A_84 : memref<1x128xi32, #tpu.memory_space<vmem>> -> memref<128xi32, #tpu.memory_space<vmem>>
      %dma_wait3A_86 = arith.constant 0 : i32
      %dma_wait3A_87 = arith.constant 0 : i32
      %dma_wait3A_88 = tpu.memref_slice %arg13[%dma_wait3A_86, %dma_wait3A_87] : memref<10240x128xf32, #tpu.memory_space<vmem_shared>> -> memref<10240x128xf32, #tpu.memory_space<vmem_shared>>
      tpu.wait_indirect_dma semaphore(%run_scoped3A_76 : memref<!tpu.dma_semaphore, #tpu.memory_space<semaphore_mem>>) src(%arg9 : memref<128x128xf32, #tpu.memory_space<vmem>>) dst(%dma_wait3A_88 : memref<10240x128xf32, #tpu.memory_space<vmem_shared>>)
      tpu.yield
    }) : () -> ()
    %dma_wait3A_63 = arith.constant 39 : i32
    %dma_wait3A_64 = arith.constant 0 : i32
    %dma_wait3A_65 = tpu.memref_slice %arg7[%dma_wait3A_63, %dma_wait3A_64] : memref<40x128xi32, #tpu.memory_space<vmem>> -> memref<1x128xi32, #tpu.memory_space<vmem>>
    %dma_wait3A_66 = tpu.memref_squeeze %dma_wait3A_65 : memref<1x128xi32, #tpu.memory_space<vmem>> -> memref<128xi32, #tpu.memory_space<vmem>>
    %dma_wait3A_67 = arith.constant 0 : i32
    %dma_wait3A_68 = arith.constant 0 : i32
    %dma_wait3A_69 = tpu.memref_slice %arg2[%dma_wait3A_67, %dma_wait3A_68] : memref<10000x128xf32, #tpu.memory_space<hbm>> -> memref<10000x128xf32, #tpu.memory_space<hbm>>
    tpu.wait_indirect_dma semaphore(%arg12 : memref<!tpu.dma_semaphore, #tpu.memory_space<semaphore_mem>>) src(%dma_wait3A_69 : memref<10000x128xf32, #tpu.memory_space<hbm>>) dst(%arg10 : memref<128x128xf32, #tpu.memory_space<vmem>>)
    %run_scoped3A_70 = arith.constant 39 : i32
    "tpu.region"() ({
      %run_scoped3A_76 = tpu.sem_alloc : memref<!tpu.dma_semaphore, #tpu.memory_space<semaphore_mem>>
      %dma_start3A_77 = arith.constant 0 : i32
      %dma_start3A_78 = tpu.memref_slice %arg8[%run_scoped3A_70, %dma_start3A_77] : memref<40x128xi32, #tpu.memory_space<vmem>> -> memref<1x128xi32, #tpu.memory_space<vmem>>
      %dma_start3A_79 = tpu.memref_squeeze %dma_start3A_78 : memref<1x128xi32, #tpu.memory_space<vmem>> -> memref<128xi32, #tpu.memory_space<vmem>>
      %dma_start3A_80 = arith.constant 0 : i32
      %dma_start3A_81 = arith.constant 0 : i32
      %dma_start3A_82 = tpu.memref_slice %arg13[%dma_start3A_80, %dma_start3A_81] : memref<10240x128xf32, #tpu.memory_space<vmem_shared>> -> memref<10240x128xf32, #tpu.memory_space<vmem_shared>>
      tpu.enqueue_indirect_dma source(%arg10 : memref<128x128xf32, #tpu.memory_space<vmem>>) target(%dma_start3A_82 : memref<10240x128xf32, #tpu.memory_space<vmem_shared>>) offsets(%dma_start3A_79 : memref<128xi32, #tpu.memory_space<vmem>>) semaphore(%run_scoped3A_76 : memref<!tpu.dma_semaphore, #tpu.memory_space<semaphore_mem>>) {add = true}
      %dma_wait3A_83 = arith.constant 0 : i32
      %dma_wait3A_84 = tpu.memref_slice %arg8[%run_scoped3A_70, %dma_wait3A_83] : memref<40x128xi32, #tpu.memory_space<vmem>> -> memref<1x128xi32, #tpu.memory_space<vmem>>
      %dma_wait3A_85 = tpu.memref_squeeze %dma_wait3A_84 : memref<1x128xi32, #tpu.memory_space<vmem>> -> memref<128xi32, #tpu.memory_space<vmem>>
      %dma_wait3A_86 = arith.constant 0 : i32
      %dma_wait3A_87 = arith.constant 0 : i32
      %dma_wait3A_88 = tpu.memref_slice %arg13[%dma_wait3A_86, %dma_wait3A_87] : memref<10240x128xf32, #tpu.memory_space<vmem_shared>> -> memref<10240x128xf32, #tpu.memory_space<vmem_shared>>
      tpu.wait_indirect_dma semaphore(%run_scoped3A_76 : memref<!tpu.dma_semaphore, #tpu.memory_space<semaphore_mem>>) src(%arg10 : memref<128x128xf32, #tpu.memory_space<vmem>>) dst(%dma_wait3A_88 : memref<10240x128xf32, #tpu.memory_space<vmem_shared>>)
      tpu.yield
    }) : () -> ()
    %barrier3A_71 = arith.constant 0 : index
    tpu.barrier barrier_id(%barrier3A_71)
    %mul3A_72 = arith.constant 640 : i32
    %mul3A_73 = arith.muli %arg1, %mul3A_72 : i32
    %mul3A_74 = arith.constant 640 : i32
    %mul3A_75 = arith.muli %arg1, %mul3A_74 : i32
    "tpu.region"() ({
      %run_scoped3A_76 = tpu.sem_alloc : memref<!tpu.dma_semaphore, #tpu.memory_space<semaphore_mem>>
      %dma_start3A_77 = arith.constant 0 : i32
      %dma_start3A_78 = tpu.memref_slice %arg6[%arg0, %mul3A_75, %dma_start3A_77] : memref<2x10240x128xf32, #tpu.memory_space<hbm>> -> memref<1x640x128xf32, #tpu.memory_space<hbm>>
      %dma_start3A_79 = tpu.memref_squeeze %dma_start3A_78 : memref<1x640x128xf32, #tpu.memory_space<hbm>> -> memref<640x128xf32, #tpu.memory_space<hbm>>
      %dma_start3A_80 = arith.constant 0 : i32
      %dma_start3A_81 = tpu.memref_slice %arg13[%mul3A_73, %dma_start3A_80] : memref<10240x128xf32, #tpu.memory_space<vmem_shared>> -> memref<640x128xf32, #tpu.memory_space<vmem_shared>>
      tpu.enqueue_dma source(%dma_start3A_81 : memref<640x128xf32, #tpu.memory_space<vmem_shared>>) target(%dma_start3A_79 : memref<640x128xf32, #tpu.memory_space<hbm>>) target_semaphore(%run_scoped3A_76 : memref<!tpu.dma_semaphore, #tpu.memory_space<semaphore_mem>>)
      %dma_wait3A_82 = arith.constant 0 : i32
      %dma_wait3A_83 = tpu.memref_slice %arg6[%arg0, %mul3A_75, %dma_wait3A_82] : memref<2x10240x128xf32, #tpu.memory_space<hbm>> -> memref<1x640x128xf32, #tpu.memory_space<hbm>>
      %dma_wait3A_84 = tpu.memref_squeeze %dma_wait3A_83 : memref<1x640x128xf32, #tpu.memory_space<hbm>> -> memref<640x128xf32, #tpu.memory_space<hbm>>
      %dma_wait3A_85 = arith.constant 0 : i32
      %dma_wait3A_86 = tpu.memref_slice %arg13[%mul3A_73, %dma_wait3A_85] : memref<10240x128xf32, #tpu.memory_space<vmem_shared>> -> memref<640x128xf32, #tpu.memory_space<vmem_shared>>
      tpu.wait_dma2 semaphore(%run_scoped3A_76 : memref<!tpu.dma_semaphore, #tpu.memory_space<semaphore_mem>>) src(%dma_wait3A_86 : memref<640x128xf32, #tpu.memory_space<vmem_shared>>) dst(%dma_wait3A_84 : memref<640x128xf32, #tpu.memory_space<hbm>>)
      tpu.yield
    }) : () -> ()
    return
  }
}

module attributes {stable_mosaic.version = 14 : i64} {
  func.func @_tc_dense1(%arg0: memref<10000x128xf32, #tpu.memory_space<vmem>>, %arg1: memref<128x128xf32, #tpu.memory_space<vmem>>, %arg2: memref<10240xf32, #tpu.memory_space<vmem>>, %arg3: memref<10240xf32, #tpu.memory_space<vmem>>, %arg4: memref<10000x128xf32, #tpu.memory_space<vmem>>) attributes {dimension_semantics = [], scalar_prefetch = 0 : i64, scratch_operands = 0 : i64, tpu.core_type = #tpu.core_type<tc>} {
    %get3A = arith.constant 0 : index
    %get3A_0 = vector.load %arg2[%get3A] : memref<10240xf32, #tpu.memory_space<vmem>>, vector<10240xf32>
    %get3A_1 = arith.constant 0 : index
    %get3A_2 = vector.load %arg3[%get3A_1] : memref<10240xf32, #tpu.memory_space<vmem>>, vector<10240xf32>
    %slice3A = vector.extract_strided_slice %get3A_0 {offsets = [0], sizes = [10000], strides = [1]} : vector<10240xf32> to vector<10000xf32>
    %slice3A_3 = vector.extract_strided_slice %get3A_2 {offsets = [0], sizes = [10000], strides = [1]} : vector<10240xf32> to vector<10000xf32>
    %add3A = arith.addf %slice3A, %slice3A_3 : vector<10000xf32>
    %add3A_4 = arith.constant 1.000000e+00 : f32
    %add3A_5 = vector.broadcast %add3A_4 : f32 to vector<10000xf32>
    %add3A_6 = arith.addf %add3A, %add3A_5 : vector<10000xf32>
    %max3A = arith.constant 1.000000e+00 : f32
    %max3A_7 = vector.broadcast %max3A : f32 to vector<10000xf32>
    %max3A_8 = arith.maximumf %add3A_6, %max3A_7 : vector<10000xf32>
    %rsqrt3A = math.rsqrt %max3A_8 : vector<10000xf32>
    %broadcast_in_dim3A = vector.shape_cast %rsqrt3A : vector<10000xf32> to vector<10000x1xf32>
    %get3A_9 = arith.constant 0 : index
    %get3A_10 = arith.constant 0 : index
    %get3A_11 = vector.load %arg0[%get3A_9, %get3A_10] : memref<10000x128xf32, #tpu.memory_space<vmem>>, vector<10000x128xf32>
    %get3A_12 = arith.constant 0 : index
    %get3A_13 = arith.constant 0 : index
    %get3A_14 = vector.load %arg1[%get3A_12, %get3A_13] : memref<128x128xf32, #tpu.memory_space<vmem>>, vector<128x128xf32>
    %dot_general3A = arith.constant dense<0.000000e+00> : vector<10000x128xf32>
    %dot_general3A_15 = tpu.matmul %get3A_11, %get3A_14, %dot_general3A {dimension_numbers = #tpu.dot_dimension_numbers<[1], [0], [0], [1], [0, 0, 1, 1], [], []>, transpose_lhs_hint = false} : vector<10000x128xf32>, vector<128x128xf32>, vector<10000x128xf32> -> vector<10000x128xf32>
    %mul3A = vector.broadcast %broadcast_in_dim3A : vector<10000x1xf32> to vector<10000x128xf32>
    %mul3A_16 = arith.mulf %dot_general3A_15, %mul3A : vector<10000x128xf32>
    %swap3A = arith.constant 0 : index
    %swap3A_17 = arith.constant 0 : index
    %swap3A_18 = vector.load %arg4[%swap3A, %swap3A_17] : memref<10000x128xf32, #tpu.memory_space<vmem>>, vector<10000x128xf32>
    tpu.vector_store %arg4[%swap3A, %swap3A_17], %mul3A_16 {strides = array<i32>} : memref<10000x128xf32, #tpu.memory_space<vmem>>, vector<10000x128xf32>,
    return
  }
}

module attributes {stable_mosaic.version = 14 : i64} {
  func.func @_tc_dense2(%arg0: memref<2x10240x128xf32, #tpu.memory_space<vmem>>, %arg1: memref<10000x128xf32, #tpu.memory_space<vmem>>, %arg2: memref<10240xf32, #tpu.memory_space<vmem>>, %arg3: memref<10240xf32, #tpu.memory_space<vmem>>, %arg4: memref<1x128xf32, #tpu.memory_space<vmem>>, %arg5: memref<1x128xf32, #tpu.memory_space<vmem>>, %arg6: memref<1x128xf32, #tpu.memory_space<vmem>>, %arg7: memref<128x128xf32, #tpu.memory_space<vmem>>, %arg8: memref<10000x128xf32, #tpu.memory_space<vmem>>) attributes {dimension_semantics = [], scalar_prefetch = 0 : i64, scratch_operands = 0 : i64, tpu.core_type = #tpu.core_type<tc>} {
    %get3A = arith.constant 0 : index
    %get3A_0 = vector.load %arg2[%get3A] : memref<10240xf32, #tpu.memory_space<vmem>>, vector<10240xf32>
    %get3A_1 = arith.constant 0 : index
    %get3A_2 = vector.load %arg3[%get3A_1] : memref<10240xf32, #tpu.memory_space<vmem>>, vector<10240xf32>
    %slice3A = vector.extract_strided_slice %get3A_0 {offsets = [0], sizes = [10000], strides = [1]} : vector<10240xf32> to vector<10000xf32>
    %slice3A_3 = vector.extract_strided_slice %get3A_2 {offsets = [0], sizes = [10000], strides = [1]} : vector<10240xf32> to vector<10000xf32>
    %add3A = arith.addf %slice3A, %slice3A_3 : vector<10000xf32>
    %add3A_4 = arith.constant 1.000000e+00 : f32
    %add3A_5 = vector.broadcast %add3A_4 : f32 to vector<10000xf32>
    %add3A_6 = arith.addf %add3A, %add3A_5 : vector<10000xf32>
    %max3A = arith.constant 1.000000e+00 : f32
    %max3A_7 = vector.broadcast %max3A : f32 to vector<10000xf32>
    %max3A_8 = arith.maximumf %add3A_6, %max3A_7 : vector<10000xf32>
    %rsqrt3A = math.rsqrt %max3A_8 : vector<10000xf32>
    %broadcast_in_dim3A = vector.shape_cast %rsqrt3A : vector<10000xf32> to vector<10000x1xf32>
    %get3A_9 = arith.constant 0 : index
    %get3A_10 = arith.constant 0 : index
    %get3A_11 = arith.constant 0 : index
    %get3A_12 = vector.load %arg0[%get3A_9, %get3A_10, %get3A_11] : memref<2x10240x128xf32, #tpu.memory_space<vmem>>, vector<2x10240x128xf32>
    %get3A_13 = arith.constant 0 : index
    %get3A_14 = arith.constant 0 : index
    %get3A_15 = vector.load %arg1[%get3A_13, %get3A_14] : memref<10000x128xf32, #tpu.memory_space<vmem>>, vector<10000x128xf32>
    %get3A_16 = arith.constant 0 : index
    %get3A_17 = arith.constant 0 : index
    %get3A_18 = vector.load %arg4[%get3A_16, %get3A_17] : memref<1x128xf32, #tpu.memory_space<vmem>>, vector<1x128xf32>
    %get3A_19 = arith.constant 0 : index
    %get3A_20 = arith.constant 0 : index
    %get3A_21 = vector.load %arg5[%get3A_19, %get3A_20] : memref<1x128xf32, #tpu.memory_space<vmem>>, vector<1x128xf32>
    %get3A_22 = arith.constant 0 : index
    %get3A_23 = arith.constant 0 : index
    %get3A_24 = vector.load %arg6[%get3A_22, %get3A_23] : memref<1x128xf32, #tpu.memory_space<vmem>>, vector<1x128xf32>
    %slice3A_25 = vector.extract_strided_slice %get3A_12 {offsets = [0, 0, 0], sizes = [1, 10000, 128], strides = [1, 1, 1]} : vector<2x10240x128xf32> to vector<1x10000x128xf32>
    %squeeze3A = vector.shape_cast %slice3A_25 : vector<1x10000x128xf32> to vector<10000x128xf32>
    %slice3A_26 = vector.extract_strided_slice %get3A_12 {offsets = [1, 0, 0], sizes = [1, 10000, 128], strides = [1, 1, 1]} : vector<2x10240x128xf32> to vector<1x10000x128xf32>
    %squeeze3A_27 = vector.shape_cast %slice3A_26 : vector<1x10000x128xf32> to vector<10000x128xf32>
    %add3A_28 = arith.addf %squeeze3A, %squeeze3A_27 : vector<10000x128xf32>
    %add3A_29 = arith.addf %add3A_28, %get3A_15 : vector<10000x128xf32>
    %mul3A = vector.broadcast %broadcast_in_dim3A : vector<10000x1xf32> to vector<10000x128xf32>
    %mul3A_30 = arith.mulf %mul3A, %add3A_29 : vector<10000x128xf32>
    %add3A_31 = vector.broadcast %get3A_18 : vector<1x128xf32> to vector<10000x128xf32>
    %add3A_32 = arith.addf %mul3A_30, %add3A_31 : vector<10000x128xf32>
    %reduce_sum3A = arith.constant dense<0.000000e+00> : vector<128xf32>
    %reduce_sum3A_33 = vector.multi_reduction <add>, %add3A_32, %reduce_sum3A [0] : vector<10000x128xf32> to vector<128xf32>
    %broadcast_in_dim3A_34 = vector.shape_cast %reduce_sum3A_33 : vector<128xf32> to vector<1x128xf32>
    %div3A = arith.constant 1.000000e+04 : f32
    %div3A_35 = vector.broadcast %div3A : f32 to vector<1x128xf32>
    %div3A_36 = arith.divf %broadcast_in_dim3A_34, %div3A_35 : vector<1x128xf32>
    %sub3A = vector.broadcast %div3A_36 : vector<1x128xf32> to vector<10000x128xf32>
    %sub3A_37 = arith.subf %add3A_32, %sub3A : vector<10000x128xf32>
    %integer_pow3A = arith.mulf %sub3A_37, %sub3A_37 : vector<10000x128xf32>
    %reduce_sum3A_38 = arith.constant dense<0.000000e+00> : vector<128xf32>
    %reduce_sum3A_39 = vector.multi_reduction <add>, %integer_pow3A, %reduce_sum3A_38 [0] : vector<10000x128xf32> to vector<128xf32>
    %broadcast_in_dim3A_40 = vector.shape_cast %reduce_sum3A_39 : vector<128xf32> to vector<1x128xf32>
    %div3A_41 = arith.constant 1.000000e+04 : f32
    %div3A_42 = vector.broadcast %div3A_41 : f32 to vector<1x128xf32>
    %div3A_43 = arith.divf %broadcast_in_dim3A_40, %div3A_42 : vector<1x128xf32>
    %sub3A_44 = vector.broadcast %div3A_36 : vector<1x128xf32> to vector<10000x128xf32>
    %sub3A_45 = arith.subf %add3A_32, %sub3A_44 : vector<10000x128xf32>
    %add3A_46 = arith.constant 9.99999974E-6 : f32
    %add3A_47 = vector.broadcast %add3A_46 : f32 to vector<1x128xf32>
    %add3A_48 = arith.addf %div3A_43, %add3A_47 : vector<1x128xf32>
    %rsqrt3A_49 = math.rsqrt %add3A_48 : vector<1x128xf32>
    %mul3A_50 = vector.broadcast %rsqrt3A_49 : vector<1x128xf32> to vector<10000x128xf32>
    %mul3A_51 = arith.mulf %sub3A_45, %mul3A_50 : vector<10000x128xf32>
    %mul3A_52 = vector.broadcast %get3A_21 : vector<1x128xf32> to vector<10000x128xf32>
    %mul3A_53 = arith.mulf %mul3A_51, %mul3A_52 : vector<10000x128xf32>
    %add3A_54 = vector.broadcast %get3A_24 : vector<1x128xf32> to vector<10000x128xf32>
    %add3A_55 = arith.addf %mul3A_53, %add3A_54 : vector<10000x128xf32>
    %max3A_56 = arith.constant 0.000000e+00 : f32
    %max3A_57 = vector.broadcast %max3A_56 : f32 to vector<10000x128xf32>
    %max3A_58 = arith.maximumf %add3A_55, %max3A_57 : vector<10000x128xf32>
    %get3A_59 = arith.constant 0 : index
    %get3A_60 = arith.constant 0 : index
    %get3A_61 = vector.load %arg7[%get3A_59, %get3A_60] : memref<128x128xf32, #tpu.memory_space<vmem>>, vector<128x128xf32>
    %dot_general3A = arith.constant dense<0.000000e+00> : vector<10000x128xf32>
    %dot_general3A_62 = tpu.matmul %max3A_58, %get3A_61, %dot_general3A {dimension_numbers = #tpu.dot_dimension_numbers<[1], [0], [0], [1], [0, 0, 1, 1], [], []>, transpose_lhs_hint = false} : vector<10000x128xf32>, vector<128x128xf32>, vector<10000x128xf32> -> vector<10000x128xf32>
    %mul3A_63 = vector.broadcast %broadcast_in_dim3A : vector<10000x1xf32> to vector<10000x128xf32>
    %mul3A_64 = arith.mulf %dot_general3A_62, %mul3A_63 : vector<10000x128xf32>
    %swap3A = arith.constant 0 : index
    %swap3A_65 = arith.constant 0 : index
    %swap3A_66 = vector.load %arg8[%swap3A, %swap3A_65] : memref<10000x128xf32, #tpu.memory_space<vmem>>, vector<10000x128xf32>
    tpu.vector_store %arg8[%swap3A, %swap3A_65], %mul3A_64 {strides = array<i32>} : memref<10000x128xf32, #tpu.memory_space<vmem>>, vector<10000x128xf32>,
    return
  }
}

module attributes {stable_mosaic.version = 14 : i64} {
  func.func @_tc_dense3(%arg0: memref<2x10240x128xf32, #tpu.memory_space<vmem>>, %arg1: memref<10000x128xf32, #tpu.memory_space<vmem>>, %arg2: memref<10240xf32, #tpu.memory_space<vmem>>, %arg3: memref<10240xf32, #tpu.memory_space<vmem>>, %arg4: memref<1x128xf32, #tpu.memory_space<vmem>>, %arg5: memref<1x128xf32, #tpu.memory_space<vmem>>, %arg6: memref<1x128xf32, #tpu.memory_space<vmem>>, %arg7: memref<10000x1xi32, #tpu.memory_space<vmem>>, %arg8: memref<64x128xf32, #tpu.memory_space<vmem>>) attributes {dimension_semantics = [], scalar_prefetch = 0 : i64, scratch_operands = 0 : i64, tpu.core_type = #tpu.core_type<tc>} {
    %get3A = arith.constant 0 : index
    %get3A_0 = vector.load %arg2[%get3A] : memref<10240xf32, #tpu.memory_space<vmem>>, vector<10240xf32>
    %get3A_1 = arith.constant 0 : index
    %get3A_2 = vector.load %arg3[%get3A_1] : memref<10240xf32, #tpu.memory_space<vmem>>, vector<10240xf32>
    %slice3A = vector.extract_strided_slice %get3A_0 {offsets = [0], sizes = [10000], strides = [1]} : vector<10240xf32> to vector<10000xf32>
    %slice3A_3 = vector.extract_strided_slice %get3A_2 {offsets = [0], sizes = [10000], strides = [1]} : vector<10240xf32> to vector<10000xf32>
    %add3A = arith.addf %slice3A, %slice3A_3 : vector<10000xf32>
    %add3A_4 = arith.constant 1.000000e+00 : f32
    %add3A_5 = vector.broadcast %add3A_4 : f32 to vector<10000xf32>
    %add3A_6 = arith.addf %add3A, %add3A_5 : vector<10000xf32>
    %max3A = arith.constant 1.000000e+00 : f32
    %max3A_7 = vector.broadcast %max3A : f32 to vector<10000xf32>
    %max3A_8 = arith.maximumf %add3A_6, %max3A_7 : vector<10000xf32>
    %rsqrt3A = math.rsqrt %max3A_8 : vector<10000xf32>
    %broadcast_in_dim3A = vector.shape_cast %rsqrt3A : vector<10000xf32> to vector<10000x1xf32>
    %get3A_9 = arith.constant 0 : index
    %get3A_10 = arith.constant 0 : index
    %get3A_11 = arith.constant 0 : index
    %get3A_12 = vector.load %arg0[%get3A_9, %get3A_10, %get3A_11] : memref<2x10240x128xf32, #tpu.memory_space<vmem>>, vector<2x10240x128xf32>
    %get3A_13 = arith.constant 0 : index
    %get3A_14 = arith.constant 0 : index
    %get3A_15 = vector.load %arg1[%get3A_13, %get3A_14] : memref<10000x128xf32, #tpu.memory_space<vmem>>, vector<10000x128xf32>
    %get3A_16 = arith.constant 0 : index
    %get3A_17 = arith.constant 0 : index
    %get3A_18 = vector.load %arg4[%get3A_16, %get3A_17] : memref<1x128xf32, #tpu.memory_space<vmem>>, vector<1x128xf32>
    %get3A_19 = arith.constant 0 : index
    %get3A_20 = arith.constant 0 : index
    %get3A_21 = vector.load %arg5[%get3A_19, %get3A_20] : memref<1x128xf32, #tpu.memory_space<vmem>>, vector<1x128xf32>
    %get3A_22 = arith.constant 0 : index
    %get3A_23 = arith.constant 0 : index
    %get3A_24 = vector.load %arg6[%get3A_22, %get3A_23] : memref<1x128xf32, #tpu.memory_space<vmem>>, vector<1x128xf32>
    %slice3A_25 = vector.extract_strided_slice %get3A_12 {offsets = [0, 0, 0], sizes = [1, 10000, 128], strides = [1, 1, 1]} : vector<2x10240x128xf32> to vector<1x10000x128xf32>
    %squeeze3A = vector.shape_cast %slice3A_25 : vector<1x10000x128xf32> to vector<10000x128xf32>
    %slice3A_26 = vector.extract_strided_slice %get3A_12 {offsets = [1, 0, 0], sizes = [1, 10000, 128], strides = [1, 1, 1]} : vector<2x10240x128xf32> to vector<1x10000x128xf32>
    %squeeze3A_27 = vector.shape_cast %slice3A_26 : vector<1x10000x128xf32> to vector<10000x128xf32>
    %add3A_28 = arith.addf %squeeze3A, %squeeze3A_27 : vector<10000x128xf32>
    %add3A_29 = arith.addf %add3A_28, %get3A_15 : vector<10000x128xf32>
    %mul3A = vector.broadcast %broadcast_in_dim3A : vector<10000x1xf32> to vector<10000x128xf32>
    %mul3A_30 = arith.mulf %mul3A, %add3A_29 : vector<10000x128xf32>
    %add3A_31 = vector.broadcast %get3A_18 : vector<1x128xf32> to vector<10000x128xf32>
    %add3A_32 = arith.addf %mul3A_30, %add3A_31 : vector<10000x128xf32>
    %reduce_sum3A = arith.constant dense<0.000000e+00> : vector<128xf32>
    %reduce_sum3A_33 = vector.multi_reduction <add>, %add3A_32, %reduce_sum3A [0] : vector<10000x128xf32> to vector<128xf32>
    %broadcast_in_dim3A_34 = vector.shape_cast %reduce_sum3A_33 : vector<128xf32> to vector<1x128xf32>
    %div3A = arith.constant 1.000000e+04 : f32
    %div3A_35 = vector.broadcast %div3A : f32 to vector<1x128xf32>
    %div3A_36 = arith.divf %broadcast_in_dim3A_34, %div3A_35 : vector<1x128xf32>
    %sub3A = vector.broadcast %div3A_36 : vector<1x128xf32> to vector<10000x128xf32>
    %sub3A_37 = arith.subf %add3A_32, %sub3A : vector<10000x128xf32>
    %integer_pow3A = arith.mulf %sub3A_37, %sub3A_37 : vector<10000x128xf32>
    %reduce_sum3A_38 = arith.constant dense<0.000000e+00> : vector<128xf32>
    %reduce_sum3A_39 = vector.multi_reduction <add>, %integer_pow3A, %reduce_sum3A_38 [0] : vector<10000x128xf32> to vector<128xf32>
    %broadcast_in_dim3A_40 = vector.shape_cast %reduce_sum3A_39 : vector<128xf32> to vector<1x128xf32>
    %div3A_41 = arith.constant 1.000000e+04 : f32
    %div3A_42 = vector.broadcast %div3A_41 : f32 to vector<1x128xf32>
    %div3A_43 = arith.divf %broadcast_in_dim3A_40, %div3A_42 : vector<1x128xf32>
    %sub3A_44 = vector.broadcast %div3A_36 : vector<1x128xf32> to vector<10000x128xf32>
    %sub3A_45 = arith.subf %add3A_32, %sub3A_44 : vector<10000x128xf32>
    %add3A_46 = arith.constant 9.99999974E-6 : f32
    %add3A_47 = vector.broadcast %add3A_46 : f32 to vector<1x128xf32>
    %add3A_48 = arith.addf %div3A_43, %add3A_47 : vector<1x128xf32>
    %rsqrt3A_49 = math.rsqrt %add3A_48 : vector<1x128xf32>
    %mul3A_50 = vector.broadcast %rsqrt3A_49 : vector<1x128xf32> to vector<10000x128xf32>
    %mul3A_51 = arith.mulf %sub3A_45, %mul3A_50 : vector<10000x128xf32>
    %mul3A_52 = vector.broadcast %get3A_21 : vector<1x128xf32> to vector<10000x128xf32>
    %mul3A_53 = arith.mulf %mul3A_51, %mul3A_52 : vector<10000x128xf32>
    %add3A_54 = vector.broadcast %get3A_24 : vector<1x128xf32> to vector<10000x128xf32>
    %add3A_55 = arith.addf %mul3A_53, %add3A_54 : vector<10000x128xf32>
    %max3A_56 = arith.constant 0.000000e+00 : f32
    %max3A_57 = vector.broadcast %max3A_56 : f32 to vector<10000x128xf32>
    %max3A_58 = arith.maximumf %add3A_55, %max3A_57 : vector<10000x128xf32>
    %iota3A = tpu.iota {dimensions = array<i32: 1>} : vector<10000x64xi32>
    %get3A_59 = arith.constant 0 : index
    %get3A_60 = arith.constant 0 : index
    %get3A_61 = vector.load %arg7[%get3A_59, %get3A_60] : memref<10000x1xi32, #tpu.memory_space<vmem>>, vector<10000x1xi32>
    %eq3A = vector.broadcast %get3A_61 : vector<10000x1xi32> to vector<10000x64xi32>
    %eq3A_62 = arith.cmpi eq, %eq3A, %iota3A : vector<10000x64xi32>
    %convert_element_type3A = arith.extui %eq3A_62 : vector<10000x64xi1> to vector<10000x64xi32>
    %convert_element_type3A_63 = arith.sitofp %convert_element_type3A : vector<10000x64xi32> to vector<10000x64xf32>
    %dot_general3A = arith.constant dense<0.000000e+00> : vector<64x128xf32>
    %dot_general3A_64 = tpu.matmul %convert_element_type3A_63, %max3A_58, %dot_general3A {dimension_numbers = #tpu.dot_dimension_numbers<[0], [0], [1], [1], [0, 1, 1, 1], [], []>, transpose_lhs_hint = false} : vector<10000x64xf32>, vector<10000x128xf32>, vector<64x128xf32> -> vector<64x128xf32>
    %reduce_sum3A_65 = arith.constant dense<0.000000e+00> : vector<64xf32>
    %reduce_sum3A_66 = vector.multi_reduction <add>, %convert_element_type3A_63, %reduce_sum3A_65 [0] : vector<10000x64xf32> to vector<64xf32>
    %broadcast_in_dim3A_67 = vector.shape_cast %reduce_sum3A_66 : vector<64xf32> to vector<64x1xf32>
    %max3A_68 = arith.constant 1.000000e+00 : f32
    %max3A_69 = vector.broadcast %max3A_68 : f32 to vector<64x1xf32>
    %max3A_70 = arith.maximumf %broadcast_in_dim3A_67, %max3A_69 : vector<64x1xf32>
    %div3A_71 = vector.broadcast %max3A_70 : vector<64x1xf32> to vector<64x128xf32>
    %div3A_72 = arith.divf %dot_general3A_64, %div3A_71 : vector<64x128xf32>
    %swap3A = arith.constant 0 : index
    %swap3A_73 = arith.constant 0 : index
    %swap3A_74 = vector.load %arg8[%swap3A, %swap3A_73] : memref<64x128xf32, #tpu.memory_space<vmem>>, vector<64x128xf32>
    tpu.vector_store %arg8[%swap3A, %swap3A_73], %div3A_72 {strides = array<i32>} : memref<64x128xf32, #tpu.memory_space<vmem>>, vector<64x128xf32>,
    return
  }
}

</mosaic_0001>

<sc_bundles>
// kernel: kernel.11.cloned.1.call-start
scs
__scs_entry_jumppad:
0x0: {  	(pc) =	sbr.rel $0x88, $3  }
0x1: {  	(tag) =	ssettag $0x0;
	lr =	simm.s32 $0x1  }
0x2: {  	[smem:$0x3F96] =	sst lr;
	_ =	strace $0xD0000000  }
0x3: {  	_ = 	snop  }
0x4: {  	_ = 	snop  }
0x5: {  	_ = 	snop  }
0x6: {  	_ = 	snop  }
0x7: {  	_ = 	snop  }
__scs_overlays_trampoline_lowered:
0x8: {  	[smem:$0x3FA5] =	sst s0  }
0x9: {  	[smem:$0x3FA6] =	sst s1  }
0xa: {  	[smem:$0x3FA7] =	sst s2  }
0xb: {  	[smem:$0x3FA8] =	sst s3  }
0xc: {  	[smem:$0x3FA9] =	sst s4  }
0xd: {  	[smem:$0x3FAA] =	sst s5  }
0xe: {  	[smem:$0x3FAB] =	sst s6  }
0xf: {  	[smem:$0x3FAC] =	sst s7  }
0x10: {  	[smem:$0x3FAD] =	sst s8  }
0x11: {  	[smem:$0x3FAE] =	sst s9;
	s0 =	simm.s32 @!p0 $0x0  }
0x12: {  	s1 =	sld [smem:$0x3F94];
	s0 =	simm.s32 @p0 $0x1  }
0x13: {  	[smem:$0x3FAF] =	sst s0;
	s0 =	simm.s32 @!p1 $0x0  }
0x14: {  	s2 =	sld [smem:$0x3F93];
	s0 =	simm.s32 @p1 $0x1  }
0x15: {  	[smem:$0x3FB0] =	sst s0;
	s0 =	simm.s32 @!p2 $0x0  }
0x16: {  	s3 =	sld [smem:$0x3FDB];
	s0 =	simm.s32 @p2 $0x1  }
0x17: {  	s4 =	simm.s32 $0x1BF5;
	[smem:$0x3FB2] =	sst s0  }
0x18: {  	s0 =	sld [smem:$0x3F95];
	_ =	swait.ge [sflag:s4], $0x0  }
0x19: {  	s7 =	sld [smem:$0x3F96]  }
0x1a: {  	s8 =	sadd.s32 $0xFFFFE003, lr  }
0x1b: {  	s9 =	sadd.s32 $0xFFFFFEF7, lr;
	s5 =	simm.s32 $0xFFFFFFFF;
	p2 =	slt.u32 s8, $0xFFFFF086  }
0x1c: {  	p1 =	slt.u32 s9, $0xF7A;
	s5 =	simm.s32 @!p2 $0x0  }
0x1d: {  	s5 =	simm.s32 @p1 $0x1;
	p0 =	seq.s32 s7, s2  }
0x1e: {  	s7 =	smul.u32 @!p0 $0xF7A, s2;
	p2 =	seq.s32 @!p0 s5, $0x0  }
0x1f: {  	s9 =	smul.u32 $0xF7A, s1;
	s8 =	simm.s32 @!p0 $0x1BF5;
	p2 =	por !p2, p0  }
0x20: {  	[sflag:s8] =	ssyncset.s32 @!p0 $0xFFFFF086;
	s6 =	sadd.s32 @!p0 s3, s7;
	s7 =	simm.s32 @!p0 $0x108  }
0x21: {  	s3 =	sadd.s32 s3, s9;
	s6 =	sadd.s32 @!p0 $0x88, s6;
	s7 =	simm.s32 @p2 $0x1082  }
0x22: {  	[simem:s7], [sflag:s8] =	dma.local @!p0 [hbm:s6], $0xF7A  }
0x23: {  	s9 =	sor.u32 $0xD0000000, s2;
	s6 =	simm.s32 $0x108;
	_ =	swait.ge @!p0 [sflag:s8], $0x0  }
0x24: {  	s3 =	sadd.s32 $0x88, s3;
	s6 =	simm.s32 @!p1 $0x1082;
	[sflag:s4] =	ssyncset.s32 $0xFFFFF086  }
0x25: {  	[simem:s6], [sflag:s4] =	dma.local [hbm:s3], $0xF7A  }
0x26: {  	[smem:$0x3F96] =	sst s1;
	(tag) =	ssettag s2;
	_ =	strace s9  }
0x27: {  	s1 =	sld [smem:$0x3FA6]  }
0x28: {  	s2 =	sld [smem:$0x3FA7]  }
0x29: {  	s4 =	sld [smem:$0x3FA9]  }
0x2a: {  	p0 =	seq.s32 s5, $0x0;
	s5 =	sld [smem:$0x3FAA]  }
0x2b: {  	s6 =	sld [smem:$0x3FAB]  }
0x2c: {  	s7 =	sld [smem:$0x3FAC]  }
0x2d: {  	s3 =	simm.s32 $0x108;
	s8 =	sld [smem:$0x3FAD]  }
0x2e: {  	s3 =	simm.s32 @!p0 $0x1082;
	s9 =	sld [smem:$0x3FAE]  }
0x2f: {  	lr =	sadd.s32 s0, s3;
	s0 =	sld [smem:$0x3FA5]  }
0x30: {  	s3 =	sld [smem:$0x3FA8]  }
0x31: {  	[smem:$0x3FB1] =	sst s10  }
0x32: {  	s10 =	sld [smem:$0x3FAF];
	_ =	sdelay $0x3  }
0x33: {  	p0 =	seq.s32 s10, $0x1;
	s10 =	sld [smem:$0x3FB1];
	_ =	sdelay $0x3  }
0x34: {  	[smem:$0x3FB1] =	sst s10  }
0x35: {  	s10 =	sld [smem:$0x3FB0];
	_ =	sdelay $0x3  }
0x36: {  	p1 =	seq.s32 s10, $0x1;
	s10 =	sld [smem:$0x3FB1];
	_ =	sdelay $0x3  }
0x37: {  	[smem:$0x3FB1] =	sst s10  }
0x38: {  	s10 =	sld [smem:$0x3FB2]  }
0x39: {  	_ = 	snop;
	(pc) =	sbr.ind lr, $3  }
0x3a: {  	_ = 	snop  }
0x3b: {  	_ = 	snop  }
0x3c: {  	p2 =	seq.s32 s10, $0x1;
	s10 =	sld [smem:$0x3FB1]  }
0x3d: {  	_ =	shalt  }
0x3e: {  	_ =	shalt  }
0x3f: {  	_ =	shalt  }
0x40: {  	_ =	shalt  }
0x41: {  	_ =	shalt  }
0x42: {  	_ =	shalt  }
0x43: {  	_ =	shalt  }
0x44: {  	_ =	shalt  }
0x45: {  	_ =	shalt  }
0x46: {  	_ =	shalt  }
0x47: {  	_ =	shalt  }
0x48: {  	_ =	shalt  }
0x49: {  	_ =	shalt  }
0x4a: {  	_ =	shalt  }
0x4b: {  	_ =	shalt  }
0x4c: {  	_ =	shalt  }
0x4d: {  	_ =	shalt  }
0x4e: {  	_ =	shalt  }
0x4f: {  	_ =	shalt  }
0x50: {  	_ =	shalt  }
0x51: {  	_ =	shalt  }
0x52: {  	_ =	shalt  }
0x53: {  	_ =	shalt  }
0x54: {  	_ =	shalt  }
0x55: {  	_ =	shalt  }
0x56: {  	_ =	shalt  }
0x57: {  	_ =	shalt  }
0x58: {  	_ =	shalt  }
0x59: {  	_ =	shalt  }
0x5a: {  	_ =	shalt  }
0x5b: {  	_ =	shalt  }
0x5c: {  	_ =	shalt  }
0x5d: {  	_ =	shalt  }
0x5e: {  	_ =	shalt  }
0x5f: {  	_ =	shalt  }
0x60: {  	_ =	shalt  }
0x61: {  	_ =	shalt  }
0x62: {  	_ =	shalt  }
0x63: {  	_ =	shalt  }
0x64: {  	_ =	shalt  }
0x65: {  	_ =	shalt  }
0x66: {  	_ =	shalt  }
0x67: {  	_ =	shalt  }
0x68: {  	_ =	shalt  }
0x69: {  	_ =	shalt  }
0x6a: {  	_ =	shalt  }
0x6b: {  	_ =	shalt  }
0x6c: {  	_ =	shalt  }
0x6d: {  	_ =	shalt  }
0x6e: {  	_ =	shalt  }
0x6f: {  	_ =	shalt  }
0x70: {  	_ =	shalt  }
0x71: {  	_ =	shalt  }
0x72: {  	_ =	shalt  }
0x73: {  	_ =	shalt  }
0x74: {  	_ =	shalt  }
0x75: {  	_ =	shalt  }
0x76: {  	_ =	shalt  }
0x77: {  	_ =	shalt  }
0x78: {  	_ =	shalt  }
0x79: {  	_ =	shalt  }
0x7a: {  	_ =	shalt  }
0x7b: {  	_ =	shalt  }
0x7c: {  	_ =	shalt  }
0x7d: {  	_ =	shalt  }
0x7e: {  	_ =	shalt  }
0x7f: {  	_ =	shalt  }
0x80: {  	_ =	shalt  }
0x81: {  	_ =	shalt  }
0x82: {  	_ =	shalt  }
0x83: {  	_ =	shalt  }
0x84: {  	_ =	shalt  }
0x85: {  	_ =	shalt  }
0x86: {  	_ =	shalt  }
0x87: {  	_ =	shalt  }
.Lfunc_end0:
.L_simem_size_0:
called_computation.1_lowered:
.L_overlay_start_0:
0x88: {  	s2 =	sld [smem:$0x3FD9]  }
0x89: {  	s3 =	sld [smem:$0x3FFE];
	_ =	sdelay $0x1  }
0x8a: {  	s1 =	srdreg.scid  }
0x8b: {  	s0 =	sand.u32 $0x1, s1  }
0x8c: {  	s16 =	sshll.u32 s0, $0xA;
	s2 =	sadd.s32 s3, s2  }
0x8d: {  	s2 =	sadd.s32 s2, s16  }
0x8e: {  	[smem:$0x3FBD] =	sst s2  }
0x8f: {  	_ = 	snop  }
0x90: {  	(tm) =	ssettm $0x1  }
0x91: {  	s17 =	sld [smem:$0x3FFB];
	_ =	sdelay $0x3  }
0x92: {  	_ =	strace s17  }
0x93: {  	s2 =	sld [smem:$0x3FFC];
	_ =	sdelay $0x3  }
0x94: {  	_ =	strace s2  }
0x95: {  	s2 =	sld [smem:$0x3FFD];
	_ =	sdelay $0x3  }
0x96: {  	_ =	strace s2  }
0x97: {  	_ =	strace $0x8FFFFFFF  }
0x98: {  	s18 =	sld [smem:$0x3FDB];
	_ =	sdelay $0x1  }
0x99: {  	s19 =	simm.s32 $_scs_section_size  }
0x9a: {  	s4 =	simm.s32 $_size__tile_overlayer_lowered;
	s5 =	simm.s32 $_tile_overlayer_lowered  }
0x9b: {  	s22 =	simm.s32 $0x1BFF;
	s21 =	sshll.u32 s5, $0x1;
	s2 =	sadd.s32 s19, s18  }
0x9c: {  	s6 =	simm.s32 $0x0;
	s20 =	sshll.u32 s4, $0x1;
	s4 =	sadd.s32 s21, s2  }
0x9d: {  	[timem:s6], [sflag:s22] =	dma.local [hbm:s4], s20  }
0x9e: {  	_ =	swait.ge [sflag:s22], s20  }
0x9f: {  	s3 =	ssub.s32 $0x0, s20;
	[sflag:s22] =	ssyncset.done $0x0  }
0xa0: {  	[sflag:s22] =	ssyncadd.s32 s3;
	_ =	sdelay $0x1  }
0xa1: {  	s23 =	simm.s32 $0x1B8B  }
0xa2: {  	_ =	swait.ge [sflag:s23], $0x1  }
0xa3: {  	[sflag:s23] =	ssyncset.done $0x0  }
0xa4: {  	s25 =	simm.s32 $0x1B8E;
	s24 =	sld [smem:$0x3FFE];
	[sflag:s23] =	ssyncadd.s32 $0xFFFFFFFF  }
0xa5: {  	s26 =	simm.s32 $execute0_lowered;
	[smem:$0x3FD2] =	sst s25  }
0xa6: {  	s4 =	sshll.u32 s26, $0x1;
	_ =	strace $0x80000049;
	[dreg:$0x1] =	wrdreg $0xFFFFFFFF  }
0xa7: {  	s28 =	simm.s32 $_size_execute0_lowered;
	s2 =	sadd.s32 s2, s4;
	[dreg:$0x0] =	wrdreg $0x0  }
0xa8: {  	s4 =	sshll.u32 s28, $0x1;
	[dreg:$0x2] =	wrdreg s2  }
0xa9: {  	[dreg:$0x3] =	wrdreg s4  }
0xaa: {  	[dreg:$0x4] =	wrdreg $0xC0  }
0xab: {  	_ =	task [dreg:s6], $0x5FFFF  }
0xac: {  	[dreg:$0x1] =	wrdreg $0xFFFFFFFF  }
0xad: {  	[dreg:$0x0] =	wrdreg $0x60  }
0xae: {  	[dreg:$0x2] =	wrdreg s24  }
0xaf: {  	[dreg:$0x3] =	wrdreg $0xA8000  }
0xb0: {  	[dreg:$0x4] =	wrdreg $0x9  }
0xb1: {  	_ =	task.clear_ibuf [dreg:s6], $0x5FFFF;
	_ =	strace $0x90000049  }
0xb2: {  	s29 =	simm.s32 $0x9;
	_ =	strace $0x8000004B  }
0xb3: {  	_ =	swait.ge [sflag:s29], $0x1  }
0xb4: {  	[sflag:s29] =	ssyncadd.s32 $0xFFFFFFFF  }
0xb5: {  	_ =	strace $0x9000004B  }
0xb6: {  	_ =	sfence  }
0xb7: {  	s30 =	sld [smem:$0x0];
	_ =	sdelay $0x2  }
0xb8: {  	s31 =	sshll.u32 s1, $0xD;
	s1 =	sshrl.u32 s1, $0x2  }
0xb9: {  	s3 =	sand.u32 $0x4000, s31;
	s1 =	sadd.s32 s1, s30  }
0xba: {  	s0 =	sor.u32 s3, s0;
	s1 =	sshll.u32 s1, $0x11  }
0xbb: {  	s0 =	sor.u32 s1, s0  }
0xbc: {  	s0 =	sadd.s32 $0x8F2B, s0  }
0xbd: {  	[sflag:s0] =	ssyncadd.remote.s32 $0x1  }
0xbe: {  	_ =	sfence.sel $0xFFFF  }
0xbf: {  	[dreg:$0x0] =	wrdreg $0xFFFFFFFF;
	(pc) =	sbr.abs _section_cstart, $3  }
0xc0: {  	[dreg:$0x1] =	wrdreg $0xFFFFFFFF  }
0xc1: {  	_ =	task.clear_ibuf [dreg:s6], $0x2FFFF;
	_ =	strace $0x9FFFFFFF  }
0xc2: {  	(tm) =	ssettm $0x7FFFFFFF  }
0xc3: {  	_ =	shalt  }
tec
execute0_lowered:
.L_overlay_start_1:
0x0: {  	(tag) =	ssettag $0x1  }
0x1: {  	s6 =	rddreg [dreg:$0x0]  }
0x2: {  	s1 =	rddreg [dreg:$0x1]  }
0x3: {  	s2 =	srdreg.scid;
	s0 =	rddreg [dreg:$0x2]  }
0x4: {  	s3 =	simm.s32 $0x0;
	s15 =	simm.s32 $0x1400;
	s16 =	simm.s32 $0x80  }
0x5: {  	s17 =	simm.s32 $0x2800;
	s18 =	simm.s32 $0x1;
	s19 =	simm.s32 $0x6800  }
0x6: {  	s20 =	simm.s32 $0x2;
	s21 =	simm.s32 $0x1380;
	s22 =	simm.s32 $0x2700  }
0x7: {  	s5 =	sand.u32 $0x1, s2;
	s2 =	stileid.u32;
	[smem:$0x7FF] =	sst s3  }
0x8: {  	s4 =	sadd.s32 $0x17A00, s6;
	s9 =	sadd.s32 $0xDA00, s6;
	s7 =	smul.u32 $0x140000, s5  }
0x9: {  	s10 =	sadd.s32 $0x3A00, s6;
	s8 =	smul.u32 $0x14000, s2;
	_ =	strace $0x8000004A  }
0xa: {  	s23 =	sshll.u32 s5, $0x4;
	s11 =	ssub.s32 $0x2, s5;
	s25 =	smul.u32 $0x50000, s2  }
0xb: {  	s5 =	sadd.s32 $0x3EC00, s6;
	s28 =	sshll.u32 s2, $0x6;
	s24 =	sor.u32 s2, s23  }
0xc: {  	s12 =	sshrl.u32 s11, $0x1;
	s23 =	simm.s32 $0x2780;
	s7 =	sadd.s32 s8, s7  }
0xd: {  	s13 =	smul.u32 $0x2800, s24;
	s12 =	ssub.s32 s11, s12;
	s26 =	sshrl.u32 s25, $0x2  }
0xe: {  	s24 =	simm.s32 $0x0;
	s7 =	sshrl.u32 s7, $0x3;
	s30 =	sadd.s32 s26, s1  }
0xf: {  	s12 =	smax.u32 s12, $0x1;
	s14 =	sadd.s32 s7, s6;
	s29 =	sshrl.u32 s13, $0x3  }
0x10: {  	s6 =	sor.u32 $0x1C03, s28;
	s13 =	sshrl.u32 s30, $0x3;
	s31 =	sadd.s32 $0x280, s29  }
0x11: {  	s7 =	sadd.s32 s9, s29;
	s8 =	sadd.s32 s10, s29;
	s11 =	sadd.s32 $0x41400, s14  }
0x12: {  	s14 =	simm.s32 $0x3;
	s9 =	sadd.s32 s9, s31;
	s10 =	sadd.s32 s10, s31  }
.LBB2_1:
0x13: {  	[spmem:s13], [sflag:s6] =	dma.local [hbm:s5], $0x2800  }
0x14: {  	_ =	swait.ge [sflag:s14], $0x2800  }
0x15: {  	[sflag:s14] =	ssyncset.done $0x0  }
0x16: {  	[sflag:s14] =	ssyncadd.s32 $0xFFFFD800  }
0x17: {  	[bflag:$0x0] =	sbarrier.arrive $0xFFFF  }
0x18: {  	[tilespmem:s3], [sflag:$0x3] =	stream.linear.gather [hbm4b:s7+s3], $0x1400, $0x38;
	[tilespmem:$0x1E800] =	vst v63  }
0x19: {  	_ =	swait.ge [sflag:s14], $0x1400  }
0x1a: {  	[sflag:s14] =	ssyncset.done $0x0  }
0x1b: {  	[sflag:s14] =	ssyncadd.s32 $0xFFFFEC00  }
0x1c: {  	[tilespmem:s15], [sflag:$0x3] =	stream.linear.gather [hbm4b:s8+s3], $0x1400, $0x38;
	[tilespmem:$0x1E800] =	vst v63  }
0x1d: {  	_ =	swait.ge [sflag:s14], $0x1400  }
0x1e: {  	[sflag:s14] =	ssyncset.done $0x0  }
0x1f: {  	[sflag:s14] =	ssyncadd.s32 $0xFFFFEC00  }
0x20: {  	[tilespmem:s17], [sflag:$0x1] =	stream.indirect.gather [hbm4b:s4+s16], $0x80, s3, s16, $0xb8;
	[tilespmem:$0x1E800] =	vst v63  }
0x21: {  	_ =	swait.ge [sflag:s18], $0x4000  }
0x22: {  	[sflag:s18] =	ssyncset.done $0x0  }
0x23: {  	s25 =	simm.s32 $0x80;
	[sflag:s18] =	ssyncadd.s32 $0xFFFFC000  }
0x24: {  	[tilespmem:s19], [sflag:$0x2] =	stream.indirect.gather [hbm4b:s4+s16], $0x80, s25, s16, $0xb8;
	[tilespmem:$0x1E800] =	vst v63  }
0x25: {  	s29 =	simm.s32 $0x1400  }
0x26: {  	[spmem:s1] =	stream.indirect.scatter.add.f32 [tilespmem:s17], [sflag:$0x3], $0x80, s29, s16, $0xb8;
	[tilespmem:$0x1E800] =	vst v63  }
0x27: {  	_ =	swait.ge [sflag:s14], $0x4000  }
0x28: {  	[sflag:s14] =	ssyncset.done $0x0  }
0x29: {  	[sflag:s14] =	ssyncadd.s32 $0xFFFFC000  }
0x2a: {  	_ =	swait.ge [sflag:s20], $0x4000  }
0x2b: {  	[sflag:s20] =	ssyncset.done $0x0  }
0x2c: {  	s30 =	simm.s32 $0x100;
	[sflag:s20] =	ssyncadd.s32 $0xFFFFC000  }
0x2d: {  	[tilespmem:s17], [sflag:$0x1] =	stream.indirect.gather [hbm4b:s4+s16], $0x80, s30, s16, $0xb8;
	[tilespmem:$0x1E800] =	vst v63  }
0x2e: {  	s31 =	simm.s32 $0x1480  }
0x2f: {  	[spmem:s1] =	stream.indirect.scatter.add.f32 [tilespmem:s19], [sflag:$0x3], $0x80, s31, s16, $0xb8;
	[tilespmem:$0x1E800] =	vst v63  }
0x30: {  	_ =	swait.ge [sflag:s14], $0x4000  }
0x31: {  	s25 =	simm.s32 $0x400;
	[sflag:s14] =	ssyncset.done $0x0  }
.LBB2_2:
0x32: {  	p0 =	sne.s32 s25, $0x4800  }
0x33: {  	[sflag:s14] =	ssyncadd.s32 $0xFFFFC000;
	s26 =	smov.u32 s25;
	s25 =	sadd.s32 $0x400, s25  }
0x34: {  	_ = 	snop  }
0x35: {  	_ =	swait.ge [sflag:s18], $0x4000  }
0x36: {  	s26 =	sshra.s32 s26, $0x2;
	[sflag:s18] =	ssyncset.done $0x0  }
0x37: {  	s28 =	sadd.s32 $0x80, s26;
	[sflag:s18] =	ssyncadd.s32 $0xFFFFC000  }
0x38: {  	[tilespmem:s19], [sflag:$0x2] =	stream.indirect.gather [hbm4b:s4+s16], $0x80, s28, s16, $0xb8;
	[tilespmem:$0x1E800] =	vst v63  }
0x39: {  	s28 =	sadd.s32 $0x1400, s26  }
0x3a: {  	[spmem:s1] =	stream.indirect.scatter.add.f32 [tilespmem:s17], [sflag:$0x3], $0x80, s28, s16, $0xb8;
	[tilespmem:$0x1E800] =	vst v63  }
0x3b: {  	_ =	swait.ge [sflag:s14], $0x4000  }
0x3c: {  	[sflag:s14] =	ssyncset.done $0x0  }
0x3d: {  	[sflag:s14] =	ssyncadd.s32 $0xFFFFC000  }
0x3e: {  	_ =	swait.ge [sflag:s20], $0x4000  }
0x3f: {  	[sflag:s20] =	ssyncset.done $0x0  }
0x40: {  	s28 =	sadd.s32 $0x100, s26;
	[sflag:s20] =	ssyncadd.s32 $0xFFFFC000  }
0x41: {  	[tilespmem:s17], [sflag:$0x1] =	stream.indirect.gather [hbm4b:s4+s16], $0x80, s28, s16, $0xb8;
	[tilespmem:$0x1E800] =	vst v63  }
.Ltmp0:
0x42: {  	_ = 	snop;
	(pc) =	sbr.rel @p0 .LBB2_2-.Ltmp0, $4  }
0x43: {  	s26 =	sadd.s32 $0x1480, s26  }
0x44: {  	[spmem:s1] =	stream.indirect.scatter.add.f32 [tilespmem:s19], [sflag:$0x3], $0x80, s26, s16, $0xb8;
	[tilespmem:$0x1E800] =	vst v63  }
0x45: {  	_ =	swait.ge [sflag:s14], $0x4000  }
0x46: {  	[sflag:s14] =	ssyncset.done $0x0  }
0x47: {  	[sflag:s14] =	ssyncadd.s32 $0xFFFFC000  }
0x48: {  	_ =	swait.ge [sflag:s18], $0x4000  }
0x49: {  	[sflag:s18] =	ssyncset.done $0x0  }
0x4a: {  	[sflag:s18] =	ssyncadd.s32 $0xFFFFC000  }
0x4b: {  	[tilespmem:s19], [sflag:$0x2] =	stream.indirect.gather [hbm4b:s4+s16], $0x80, s21, s16, $0xb8;
	[tilespmem:$0x1E800] =	vst v63  }
0x4c: {  	_ = 	snop  }
0x4d: {  	[spmem:s1] =	stream.indirect.scatter.add.f32 [tilespmem:s17], [sflag:$0x3], $0x80, s22, s16, $0xb8;
	[tilespmem:$0x1E800] =	vst v63  }
0x4e: {  	_ =	swait.ge [sflag:s14], $0x4000  }
0x4f: {  	[sflag:s14] =	ssyncset.done $0x0  }
0x50: {  	[sflag:s14] =	ssyncadd.s32 $0xFFFFC000  }
0x51: {  	_ =	swait.ge [sflag:s20], $0x4000  }
0x52: {  	[sflag:s20] =	ssyncset.done $0x0  }
0x53: {  	[sflag:s20] =	ssyncadd.s32 $0xFFFFC000  }
0x54: {  	[spmem:s1] =	stream.indirect.scatter.add.f32 [tilespmem:s19], [sflag:$0x3], $0x80, s23, s16, $0xb8;
	[tilespmem:$0x1E800] =	vst v63  }
0x55: {  	_ =	swait.ge [sflag:s14], $0x4000  }
0x56: {  	[sflag:s14] =	ssyncset.done $0x0  }
0x57: {  	s25 =	simm.s32 $0x0;
	[sflag:s14] =	ssyncadd.s32 $0xFFFFC000  }
0x58: {  	[tilespmem:s25], [sflag:$0x3] =	stream.linear.gather [hbm4b:s9+s25], $0x1400, $0x38;
	[tilespmem:$0x1E800] =	vst v63  }
0x59: {  	_ =	swait.ge [sflag:s14], $0x1400  }
0x5a: {  	[sflag:s14] =	ssyncset.done $0x0  }
0x5b: {  	[sflag:s14] =	ssyncadd.s32 $0xFFFFEC00  }
0x5c: {  	[tilespmem:s15], [sflag:$0x3] =	stream.linear.gather [hbm4b:s10+s25], $0x1400, $0x38;
	[tilespmem:$0x1E800] =	vst v63  }
0x5d: {  	_ =	swait.ge [sflag:s14], $0x1400  }
0x5e: {  	[sflag:s14] =	ssyncset.done $0x0  }
0x5f: {  	[sflag:s14] =	ssyncadd.s32 $0xFFFFEC00  }
0x60: {  	[tilespmem:s17], [sflag:$0x1] =	stream.indirect.gather [hbm4b:s4+s16], $0x80, s25, s16, $0xb8;
	[tilespmem:$0x1E800] =	vst v63  }
0x61: {  	_ =	swait.ge [sflag:s18], $0x4000  }
0x62: {  	[sflag:s18] =	ssyncset.done $0x0  }
0x63: {  	s28 =	simm.s32 $0x80;
	[sflag:s18] =	ssyncadd.s32 $0xFFFFC000  }
0x64: {  	[tilespmem:s19], [sflag:$0x2] =	stream.indirect.gather [hbm4b:s4+s16], $0x80, s28, s16, $0xb8;
	[tilespmem:$0x1E800] =	vst v63  }
0x65: {  	s29 =	simm.s32 $0x1400  }
0x66: {  	[spmem:s1] =	stream.indirect.scatter.add.f32 [tilespmem:s17], [sflag:$0x3], $0x80, s29, s16, $0xb8;
	[tilespmem:$0x1E800] =	vst v63  }
0x67: {  	_ =	swait.ge [sflag:s14], $0x4000  }
0x68: {  	[sflag:s14] =	ssyncset.done $0x0  }
0x69: {  	[sflag:s14] =	ssyncadd.s32 $0xFFFFC000  }
0x6a: {  	_ =	swait.ge [sflag:s20], $0x4000  }
0x6b: {  	[sflag:s20] =	ssyncset.done $0x0  }
0x6c: {  	s30 =	simm.s32 $0x100;
	[sflag:s20] =	ssyncadd.s32 $0xFFFFC000  }
0x6d: {  	[tilespmem:s17], [sflag:$0x1] =	stream.indirect.gather [hbm4b:s4+s16], $0x80, s30, s16, $0xb8;
	[tilespmem:$0x1E800] =	vst v63  }
0x6e: {  	s31 =	simm.s32 $0x1480  }
0x6f: {  	[spmem:s1] =	stream.indirect.scatter.add.f32 [tilespmem:s19], [sflag:$0x3], $0x80, s31, s16, $0xb8;
	[tilespmem:$0x1E800] =	vst v63  }
0x70: {  	_ =	swait.ge [sflag:s14], $0x4000  }
0x71: {  	s25 =	simm.s32 $0x400;
	[sflag:s14] =	ssyncset.done $0x0  }
.LBB2_4:
0x72: {  	p0 =	sne.s32 s25, $0x4800  }
0x73: {  	[sflag:s14] =	ssyncadd.s32 $0xFFFFC000;
	s26 =	smov.u32 s25;
	s25 =	sadd.s32 $0x400, s25  }
0x74: {  	_ = 	snop  }
0x75: {  	_ =	swait.ge [sflag:s18], $0x4000  }
0x76: {  	s26 =	sshra.s32 s26, $0x2;
	[sflag:s18] =	ssyncset.done $0x0  }
0x77: {  	s28 =	sadd.s32 $0x80, s26;
	[sflag:s18] =	ssyncadd.s32 $0xFFFFC000  }
0x78: {  	[tilespmem:s19], [sflag:$0x2] =	stream.indirect.gather [hbm4b:s4+s16], $0x80, s28, s16, $0xb8;
	[tilespmem:$0x1E800] =	vst v63  }
0x79: {  	s28 =	sadd.s32 $0x1400, s26  }
0x7a: {  	[spmem:s1] =	stream.indirect.scatter.add.f32 [tilespmem:s17], [sflag:$0x3], $0x80, s28, s16, $0xb8;
	[tilespmem:$0x1E800] =	vst v63  }
0x7b: {  	_ =	swait.ge [sflag:s14], $0x4000  }
0x7c: {  	[sflag:s14] =	ssyncset.done $0x0  }
0x7d: {  	[sflag:s14] =	ssyncadd.s32 $0xFFFFC000  }
0x7e: {  	_ =	swait.ge [sflag:s20], $0x4000  }
0x7f: {  	[sflag:s20] =	ssyncset.done $0x0  }
0x80: {  	s28 =	sadd.s32 $0x100, s26;
	[sflag:s20] =	ssyncadd.s32 $0xFFFFC000  }
0x81: {  	[tilespmem:s17], [sflag:$0x1] =	stream.indirect.gather [hbm4b:s4+s16], $0x80, s28, s16, $0xb8;
	[tilespmem:$0x1E800] =	vst v63  }
.Ltmp1:
0x82: {  	_ = 	snop;
	(pc) =	sbr.rel @p0 .LBB2_4-.Ltmp1, $4  }
0x83: {  	s26 =	sadd.s32 $0x1480, s26  }
0x84: {  	[spmem:s1] =	stream.indirect.scatter.add.f32 [tilespmem:s19], [sflag:$0x3], $0x80, s26, s16, $0xb8;
	[tilespmem:$0x1E800] =	vst v63  }
0x85: {  	_ =	swait.ge [sflag:s14], $0x4000  }
0x86: {  	[sflag:s14] =	ssyncset.done $0x0  }
0x87: {  	[sflag:s14] =	ssyncadd.s32 $0xFFFFC000  }
0x88: {  	_ =	swait.ge [sflag:s18], $0x4000  }
0x89: {  	[sflag:s18] =	ssyncset.done $0x0  }
0x8a: {  	[sflag:s18] =	ssyncadd.s32 $0xFFFFC000  }
0x8b: {  	[tilespmem:s19], [sflag:$0x2] =	stream.indirect.gather [hbm4b:s4+s16], $0x80, s21, s16, $0xb8;
	[tilespmem:$0x1E800] =	vst v63  }
0x8c: {  	_ = 	snop  }
0x8d: {  	[spmem:s1] =	stream.indirect.scatter.add.f32 [tilespmem:s17], [sflag:$0x3], $0x80, s22, s16, $0xb8;
	[tilespmem:$0x1E800] =	vst v63  }
0x8e: {  	_ =	swait.ge [sflag:s14], $0x4000  }
0x8f: {  	[sflag:s14] =	ssyncset.done $0x0  }
0x90: {  	[sflag:s14] =	ssyncadd.s32 $0xFFFFC000  }
0x91: {  	_ =	swait.ge [sflag:s20], $0x4000  }
0x92: {  	[sflag:s20] =	ssyncset.done $0x0  }
0x93: {  	[sflag:s20] =	ssyncadd.s32 $0xFFFFC000  }
0x94: {  	[spmem:s1] =	stream.indirect.scatter.add.f32 [tilespmem:s19], [sflag:$0x3], $0x80, s23, s16, $0xb8;
	[tilespmem:$0x1E800] =	vst v63  }
0x95: {  	_ =	swait.ge [sflag:s14], $0x4000  }
0x96: {  	s24 =	sadd.s32 $0x1, s24;
	[sflag:s14] =	ssyncset.done $0x0  }
0x97: {  	p0 =	sne.s32 s24, s12;
	[sflag:s14] =	ssyncadd.s32 $0xFFFFC000  }
.Ltmp2:
0x98: {  	[bflag:$0x0] =	sbarrier.arrive $0xFFFF;
	(pc) =	sbr.rel @p0 .LBB2_1-.Ltmp2, $4  }
0x99: {  	[hbm:s11], [sflag:s6] =	dma.local [spmem:s13], $0x2800  }
0x9a: {  	_ =	swait.ge [sflag:s14], $0x2800  }
0x9b: {  	[sflag:s14] =	ssyncset.done $0x0  }
0x9c: {  	[sflag:s14] =	ssyncadd.s32 $0xFFFFD800  }
0x9d: {  	_ =	sfence.sel $0x180000  }
0x9e: {  	[bflag:$0x0] =	sbarrier.arrive $0xFFFF  }
0x9f: {  	p0 =	sne.s32 s2, $0x0;
	_ =	strace $0x9000004A  }
0xa0: {  	s0 =	sadd.s32 @!p0 $0x100000, s0;
	[bflag:$0x2] =	sbarrier.arrive $0xFFFF  }
0xa1: {  	[sflag:s0] =	ssyncadd.tile.s32 @!p0 $0x1;
	_ =	shalt  }
.Lfunc_end2:
_tile_overlayer_lowered:
.L_overlay_start_2:
0xa2: {  	(tag) =	ssettag $0x2  }
0xa3: {  	s0 =	rddreg [dreg:$0x0];
	s2 =	stileid.u32  }
0xa4: {  	s1 =	rddreg [dreg:$0x1];
	p0 =	sne.s32 s2, $0x0  }
0xa5: {  	s3 =	rddreg [dreg:$0x2];
	[bflag:$0x3] =	sbarrier.arrive $0xFFFF;
	s2 =	simm.s32 @!p0 $0x1C03  }
0xa6: {  	[timem:s3], [sflag:s2] =	dma.local @!p0 [hbm:s0], s1  }
0xa7: {  	s0 =	simm.s32 @!p0 $0x3  }
0xa8: {  	_ =	swait.ge @!p0 [sflag:s0], s1  }
0xa9: {  	s1 =	ssub.s32 @!p0 $0x0, s1;
	[sflag:s0] =	ssyncset.done @!p0 $0x0  }
0xaa: {  	[sflag:s0] =	ssyncadd.s32 @!p0 s1  }
0xab: {  	[bflag:$0x3] =	sbarrier.arrive $0xFFFF  }
0xac: {  	_ =	shalt  }

// kernel: kernel.14.cloned.1.call-start
scs
__scs_entry_jumppad:
0x0: {  	(pc) =	sbr.rel $0x88, $3  }
0x1: {  	(tag) =	ssettag $0x0;
	lr =	simm.s32 $0x1  }
0x2: {  	[smem:$0x3F96] =	sst lr;
	_ =	strace $0xD0000000  }
0x3: {  	_ = 	snop  }
0x4: {  	_ = 	snop  }
0x5: {  	_ = 	snop  }
0x6: {  	_ = 	snop  }
0x7: {  	_ = 	snop  }
__scs_overlays_trampoline_lowered:
0x8: {  	[smem:$0x3FA5] =	sst s0  }
0x9: {  	[smem:$0x3FA6] =	sst s1  }
0xa: {  	[smem:$0x3FA7] =	sst s2  }
0xb: {  	[smem:$0x3FA8] =	sst s3  }
0xc: {  	[smem:$0x3FA9] =	sst s4  }
0xd: {  	[smem:$0x3FAA] =	sst s5  }
0xe: {  	[smem:$0x3FAB] =	sst s6  }
0xf: {  	[smem:$0x3FAC] =	sst s7  }
0x10: {  	[smem:$0x3FAD] =	sst s8  }
0x11: {  	[smem:$0x3FAE] =	sst s9;
	s0 =	simm.s32 @!p0 $0x0  }
0x12: {  	s1 =	sld [smem:$0x3F94];
	s0 =	simm.s32 @p0 $0x1  }
0x13: {  	[smem:$0x3FAF] =	sst s0;
	s0 =	simm.s32 @!p1 $0x0  }
0x14: {  	s2 =	sld [smem:$0x3F93];
	s0 =	simm.s32 @p1 $0x1  }
0x15: {  	[smem:$0x3FB0] =	sst s0;
	s0 =	simm.s32 @!p2 $0x0  }
0x16: {  	s3 =	sld [smem:$0x3FDB];
	s0 =	simm.s32 @p2 $0x1  }
0x17: {  	s4 =	simm.s32 $0x1BF5;
	[smem:$0x3FB2] =	sst s0  }
0x18: {  	s0 =	sld [smem:$0x3F95];
	_ =	swait.ge [sflag:s4], $0x0  }
0x19: {  	s7 =	sld [smem:$0x3F96]  }
0x1a: {  	s8 =	sadd.s32 $0xFFFFE003, lr  }
0x1b: {  	s9 =	sadd.s32 $0xFFFFFEF7, lr;
	s5 =	simm.s32 $0xFFFFFFFF;
	p2 =	slt.u32 s8, $0xFFFFF086  }
0x1c: {  	p1 =	slt.u32 s9, $0xF7A;
	s5 =	simm.s32 @!p2 $0x0  }
0x1d: {  	s5 =	simm.s32 @p1 $0x1;
	p0 =	seq.s32 s7, s2  }
0x1e: {  	s7 =	smul.u32 @!p0 $0xF7A, s2;
	p2 =	seq.s32 @!p0 s5, $0x0  }
0x1f: {  	s9 =	smul.u32 $0xF7A, s1;
	s8 =	simm.s32 @!p0 $0x1BF5;
	p2 =	por !p2, p0  }
0x20: {  	[sflag:s8] =	ssyncset.s32 @!p0 $0xFFFFF086;
	s6 =	sadd.s32 @!p0 s3, s7;
	s7 =	simm.s32 @!p0 $0x108  }
0x21: {  	s3 =	sadd.s32 s3, s9;
	s6 =	sadd.s32 @!p0 $0x88, s6;
	s7 =	simm.s32 @p2 $0x1082  }
0x22: {  	[simem:s7], [sflag:s8] =	dma.local @!p0 [hbm:s6], $0xF7A  }
0x23: {  	s9 =	sor.u32 $0xD0000000, s2;
	s6 =	simm.s32 $0x108;
	_ =	swait.ge @!p0 [sflag:s8], $0x0  }
0x24: {  	s3 =	sadd.s32 $0x88, s3;
	s6 =	simm.s32 @!p1 $0x1082;
	[sflag:s4] =	ssyncset.s32 $0xFFFFF086  }
0x25: {  	[simem:s6], [sflag:s4] =	dma.local [hbm:s3], $0xF7A  }
0x26: {  	[smem:$0x3F96] =	sst s1;
	(tag) =	ssettag s2;
	_ =	strace s9  }
0x27: {  	s1 =	sld [smem:$0x3FA6]  }
0x28: {  	s2 =	sld [smem:$0x3FA7]  }
0x29: {  	s4 =	sld [smem:$0x3FA9]  }
0x2a: {  	p0 =	seq.s32 s5, $0x0;
	s5 =	sld [smem:$0x3FAA]  }
0x2b: {  	s6 =	sld [smem:$0x3FAB]  }
0x2c: {  	s7 =	sld [smem:$0x3FAC]  }
0x2d: {  	s3 =	simm.s32 $0x108;
	s8 =	sld [smem:$0x3FAD]  }
0x2e: {  	s3 =	simm.s32 @!p0 $0x1082;
	s9 =	sld [smem:$0x3FAE]  }
0x2f: {  	lr =	sadd.s32 s0, s3;
	s0 =	sld [smem:$0x3FA5]  }
0x30: {  	s3 =	sld [smem:$0x3FA8]  }
0x31: {  	[smem:$0x3FB1] =	sst s10  }
0x32: {  	s10 =	sld [smem:$0x3FAF];
	_ =	sdelay $0x3  }
0x33: {  	p0 =	seq.s32 s10, $0x1;
	s10 =	sld [smem:$0x3FB1];
	_ =	sdelay $0x3  }
0x34: {  	[smem:$0x3FB1] =	sst s10  }
0x35: {  	s10 =	sld [smem:$0x3FB0];
	_ =	sdelay $0x3  }
0x36: {  	p1 =	seq.s32 s10, $0x1;
	s10 =	sld [smem:$0x3FB1];
	_ =	sdelay $0x3  }
0x37: {  	[smem:$0x3FB1] =	sst s10  }
0x38: {  	s10 =	sld [smem:$0x3FB2]  }
0x39: {  	_ = 	snop;
	(pc) =	sbr.ind lr, $3  }
0x3a: {  	_ = 	snop  }
0x3b: {  	_ = 	snop  }
0x3c: {  	p2 =	seq.s32 s10, $0x1;
	s10 =	sld [smem:$0x3FB1]  }
0x3d: {  	_ =	shalt  }
0x3e: {  	_ =	shalt  }
0x3f: {  	_ =	shalt  }
0x40: {  	_ =	shalt  }
0x41: {  	_ =	shalt  }
0x42: {  	_ =	shalt  }
0x43: {  	_ =	shalt  }
0x44: {  	_ =	shalt  }
0x45: {  	_ =	shalt  }
0x46: {  	_ =	shalt  }
0x47: {  	_ =	shalt  }
0x48: {  	_ =	shalt  }
0x49: {  	_ =	shalt  }
0x4a: {  	_ =	shalt  }
0x4b: {  	_ =	shalt  }
0x4c: {  	_ =	shalt  }
0x4d: {  	_ =	shalt  }
0x4e: {  	_ =	shalt  }
0x4f: {  	_ =	shalt  }
0x50: {  	_ =	shalt  }
0x51: {  	_ =	shalt  }
0x52: {  	_ =	shalt  }
0x53: {  	_ =	shalt  }
0x54: {  	_ =	shalt  }
0x55: {  	_ =	shalt  }
0x56: {  	_ =	shalt  }
0x57: {  	_ =	shalt  }
0x58: {  	_ =	shalt  }
0x59: {  	_ =	shalt  }
0x5a: {  	_ =	shalt  }
0x5b: {  	_ =	shalt  }
0x5c: {  	_ =	shalt  }
0x5d: {  	_ =	shalt  }
0x5e: {  	_ =	shalt  }
0x5f: {  	_ =	shalt  }
0x60: {  	_ =	shalt  }
0x61: {  	_ =	shalt  }
0x62: {  	_ =	shalt  }
0x63: {  	_ =	shalt  }
0x64: {  	_ =	shalt  }
0x65: {  	_ =	shalt  }
0x66: {  	_ =	shalt  }
0x67: {  	_ =	shalt  }
0x68: {  	_ =	shalt  }
0x69: {  	_ =	shalt  }
0x6a: {  	_ =	shalt  }
0x6b: {  	_ =	shalt  }
0x6c: {  	_ =	shalt  }
0x6d: {  	_ =	shalt  }
0x6e: {  	_ =	shalt  }
0x6f: {  	_ =	shalt  }
0x70: {  	_ =	shalt  }
0x71: {  	_ =	shalt  }
0x72: {  	_ =	shalt  }
0x73: {  	_ =	shalt  }
0x74: {  	_ =	shalt  }
0x75: {  	_ =	shalt  }
0x76: {  	_ =	shalt  }
0x77: {  	_ =	shalt  }
0x78: {  	_ =	shalt  }
0x79: {  	_ =	shalt  }
0x7a: {  	_ =	shalt  }
0x7b: {  	_ =	shalt  }
0x7c: {  	_ =	shalt  }
0x7d: {  	_ =	shalt  }
0x7e: {  	_ =	shalt  }
0x7f: {  	_ =	shalt  }
0x80: {  	_ =	shalt  }
0x81: {  	_ =	shalt  }
0x82: {  	_ =	shalt  }
0x83: {  	_ =	shalt  }
0x84: {  	_ =	shalt  }
0x85: {  	_ =	shalt  }
0x86: {  	_ =	shalt  }
0x87: {  	_ =	shalt  }
.Lfunc_end0:
.L_simem_size_0:
called_computation.2_lowered:
.L_overlay_start_0:
0x88: {  	s2 =	sld [smem:$0x3FD9]  }
0x89: {  	s3 =	sld [smem:$0x3FFE];
	_ =	sdelay $0x1  }
0x8a: {  	s1 =	srdreg.scid  }
0x8b: {  	s0 =	sand.u32 $0x1, s1  }
0x8c: {  	s16 =	sshll.u32 s0, $0xA;
	s2 =	sadd.s32 s3, s2  }
0x8d: {  	s2 =	sadd.s32 s2, s16  }
0x8e: {  	[smem:$0x3FBD] =	sst s2  }
0x8f: {  	_ = 	snop  }
0x90: {  	(tm) =	ssettm $0x1  }
0x91: {  	s17 =	sld [smem:$0x3FFB];
	_ =	sdelay $0x3  }
0x92: {  	_ =	strace s17  }
0x93: {  	s2 =	sld [smem:$0x3FFC];
	_ =	sdelay $0x3  }
0x94: {  	_ =	strace s2  }
0x95: {  	s2 =	sld [smem:$0x3FFD];
	_ =	sdelay $0x3  }
0x96: {  	_ =	strace s2  }
0x97: {  	_ =	strace $0x8FFFFFFF  }
0x98: {  	s18 =	sld [smem:$0x3FDB];
	_ =	sdelay $0x1  }
0x99: {  	s19 =	simm.s32 $_scs_section_size  }
0x9a: {  	s4 =	simm.s32 $_size__tile_overlayer_lowered;
	s5 =	simm.s32 $_tile_overlayer_lowered  }
0x9b: {  	s22 =	simm.s32 $0x1BFF;
	s21 =	sshll.u32 s5, $0x1;
	s2 =	sadd.s32 s19, s18  }
0x9c: {  	s6 =	simm.s32 $0x0;
	s20 =	sshll.u32 s4, $0x1;
	s4 =	sadd.s32 s21, s2  }
0x9d: {  	[timem:s6], [sflag:s22] =	dma.local [hbm:s4], s20  }
0x9e: {  	_ =	swait.ge [sflag:s22], s20  }
0x9f: {  	s3 =	ssub.s32 $0x0, s20;
	[sflag:s22] =	ssyncset.done $0x0  }
0xa0: {  	[sflag:s22] =	ssyncadd.s32 s3;
	_ =	sdelay $0x1  }
0xa1: {  	s23 =	simm.s32 $0x1B8B  }
0xa2: {  	_ =	swait.ge [sflag:s23], $0x1  }
0xa3: {  	[sflag:s23] =	ssyncset.done $0x0  }
0xa4: {  	s25 =	simm.s32 $0x1B8E;
	s24 =	sld [smem:$0x3FFE];
	[sflag:s23] =	ssyncadd.s32 $0xFFFFFFFF  }
0xa5: {  	s26 =	simm.s32 $execute0_lowered;
	[smem:$0x3FD2] =	sst s25  }
0xa6: {  	s4 =	sshll.u32 s26, $0x1;
	_ =	strace $0x8000004C;
	[dreg:$0x1] =	wrdreg $0xFFFFFFFF  }
0xa7: {  	s28 =	simm.s32 $_size_execute0_lowered;
	s2 =	sadd.s32 s2, s4;
	[dreg:$0x0] =	wrdreg $0x0  }
0xa8: {  	s4 =	sshll.u32 s28, $0x1;
	[dreg:$0x2] =	wrdreg s2  }
0xa9: {  	[dreg:$0x3] =	wrdreg s4  }
0xaa: {  	[dreg:$0x4] =	wrdreg $0xC0  }
0xab: {  	_ =	task [dreg:s6], $0x5FFFF  }
0xac: {  	[dreg:$0x1] =	wrdreg $0xFFFFFFFF  }
0xad: {  	[dreg:$0x0] =	wrdreg $0x60  }
0xae: {  	[dreg:$0x2] =	wrdreg s24  }
0xaf: {  	[dreg:$0x3] =	wrdreg $0xA8000  }
0xb0: {  	[dreg:$0x4] =	wrdreg $0x9  }
0xb1: {  	_ =	task.clear_ibuf [dreg:s6], $0x5FFFF;
	_ =	strace $0x9000004C  }
0xb2: {  	s29 =	simm.s32 $0x9;
	_ =	strace $0x8000004E  }
0xb3: {  	_ =	swait.ge [sflag:s29], $0x1  }
0xb4: {  	[sflag:s29] =	ssyncadd.s32 $0xFFFFFFFF  }
0xb5: {  	_ =	strace $0x9000004E  }
0xb6: {  	_ =	sfence  }
0xb7: {  	s30 =	sld [smem:$0x0];
	_ =	sdelay $0x2  }
0xb8: {  	s31 =	sshll.u32 s1, $0xD;
	s1 =	sshrl.u32 s1, $0x2  }
0xb9: {  	s3 =	sand.u32 $0x4000, s31;
	s1 =	sadd.s32 s1, s30  }
0xba: {  	s0 =	sor.u32 s3, s0;
	s1 =	sshll.u32 s1, $0x11  }
0xbb: {  	s0 =	sor.u32 s1, s0  }
0xbc: {  	s0 =	sadd.s32 $0x8F2B, s0  }
0xbd: {  	[sflag:s0] =	ssyncadd.remote.s32 $0x1  }
0xbe: {  	_ =	sfence.sel $0xFFFF  }
0xbf: {  	[dreg:$0x0] =	wrdreg $0xFFFFFFFF;
	(pc) =	sbr.abs _section_cstart, $3  }
0xc0: {  	[dreg:$0x1] =	wrdreg $0xFFFFFFFF  }
0xc1: {  	_ =	task.clear_ibuf [dreg:s6], $0x2FFFF;
	_ =	strace $0x9FFFFFFF  }
0xc2: {  	(tm) =	ssettm $0x7FFFFFFF  }
0xc3: {  	_ =	shalt  }
tec
execute0_lowered:
.L_overlay_start_1:
0x0: {  	(tag) =	ssettag $0x1  }
0x1: {  	s6 =	rddreg [dreg:$0x0]  }
0x2: {  	s1 =	rddreg [dreg:$0x1]  }
0x3: {  	s2 =	srdreg.scid;
	s0 =	rddreg [dreg:$0x2]  }
0x4: {  	s3 =	simm.s32 $0x0;
	s15 =	simm.s32 $0x1400;
	s16 =	simm.s32 $0x80  }
0x5: {  	s17 =	simm.s32 $0x2800;
	s18 =	simm.s32 $0x1;
	s19 =	simm.s32 $0x6800  }
0x6: {  	s20 =	simm.s32 $0x2;
	s21 =	simm.s32 $0x1380;
	s22 =	simm.s32 $0x2700  }
0x7: {  	s5 =	sand.u32 $0x1, s2;
	s2 =	stileid.u32;
	[smem:$0x7FF] =	sst s3  }
0x8: {  	s4 =	sadd.s32 $0x17A00, s6;
	s9 =	sadd.s32 $0xDA00, s6;
	s7 =	smul.u32 $0x140000, s5  }
0x9: {  	s10 =	sadd.s32 $0x3A00, s6;
	s8 =	smul.u32 $0x14000, s2;
	_ =	strace $0x8000004D  }
0xa: {  	s23 =	sshll.u32 s5, $0x4;
	s11 =	ssub.s32 $0x2, s5;
	s25 =	smul.u32 $0x50000, s2  }
0xb: {  	s5 =	sadd.s32 $0x3EC00, s6;
	s28 =	sshll.u32 s2, $0x6;
	s24 =	sor.u32 s2, s23  }
0xc: {  	s12 =	sshrl.u32 s11, $0x1;
	s23 =	simm.s32 $0x2780;
	s7 =	sadd.s32 s8, s7  }
0xd: {  	s13 =	smul.u32 $0x2800, s24;
	s12 =	ssub.s32 s11, s12;
	s26 =	sshrl.u32 s25, $0x2  }
0xe: {  	s24 =	simm.s32 $0x0;
	s7 =	sshrl.u32 s7, $0x3;
	s30 =	sadd.s32 s26, s1  }
0xf: {  	s12 =	smax.u32 s12, $0x1;
	s14 =	sadd.s32 s7, s6;
	s29 =	sshrl.u32 s13, $0x3  }
0x10: {  	s6 =	sor.u32 $0x1C03, s28;
	s13 =	sshrl.u32 s30, $0x3;
	s31 =	sadd.s32 $0x280, s29  }
0x11: {  	s7 =	sadd.s32 s9, s29;
	s8 =	sadd.s32 s10, s29;
	s11 =	sadd.s32 $0x41400, s14  }
0x12: {  	s14 =	simm.s32 $0x3;
	s9 =	sadd.s32 s9, s31;
	s10 =	sadd.s32 s10, s31  }
.LBB2_1:
0x13: {  	[spmem:s13], [sflag:s6] =	dma.local [hbm:s5], $0x2800  }
0x14: {  	_ =	swait.ge [sflag:s14], $0x2800  }
0x15: {  	[sflag:s14] =	ssyncset.done $0x0  }
0x16: {  	[sflag:s14] =	ssyncadd.s32 $0xFFFFD800  }
0x17: {  	[bflag:$0x0] =	sbarrier.arrive $0xFFFF  }
0x18: {  	[tilespmem:s3], [sflag:$0x3] =	stream.linear.gather [hbm4b:s7+s3], $0x1400, $0x38;
	[tilespmem:$0x1E800] =	vst v63  }
0x19: {  	_ =	swait.ge [sflag:s14], $0x1400  }
0x1a: {  	[sflag:s14] =	ssyncset.done $0x0  }
0x1b: {  	[sflag:s14] =	ssyncadd.s32 $0xFFFFEC00  }
0x1c: {  	[tilespmem:s15], [sflag:$0x3] =	stream.linear.gather [hbm4b:s8+s3], $0x1400, $0x38;
	[tilespmem:$0x1E800] =	vst v63  }
0x1d: {  	_ =	swait.ge [sflag:s14], $0x1400  }
0x1e: {  	[sflag:s14] =	ssyncset.done $0x0  }
0x1f: {  	[sflag:s14] =	ssyncadd.s32 $0xFFFFEC00  }
0x20: {  	[tilespmem:s17], [sflag:$0x1] =	stream.indirect.gather [hbm4b:s4+s16], $0x80, s3, s16, $0xb8;
	[tilespmem:$0x1E800] =	vst v63  }
0x21: {  	_ =	swait.ge [sflag:s18], $0x4000  }
0x22: {  	[sflag:s18] =	ssyncset.done $0x0  }
0x23: {  	s25 =	simm.s32 $0x80;
	[sflag:s18] =	ssyncadd.s32 $0xFFFFC000  }
0x24: {  	[tilespmem:s19], [sflag:$0x2] =	stream.indirect.gather [hbm4b:s4+s16], $0x80, s25, s16, $0xb8;
	[tilespmem:$0x1E800] =	vst v63  }
0x25: {  	s29 =	simm.s32 $0x1400  }
0x26: {  	[spmem:s1] =	stream.indirect.scatter.add.f32 [tilespmem:s17], [sflag:$0x3], $0x80, s29, s16, $0xb8;
	[tilespmem:$0x1E800] =	vst v63  }
0x27: {  	_ =	swait.ge [sflag:s14], $0x4000  }
0x28: {  	[sflag:s14] =	ssyncset.done $0x0  }
0x29: {  	[sflag:s14] =	ssyncadd.s32 $0xFFFFC000  }
0x2a: {  	_ =	swait.ge [sflag:s20], $0x4000  }
0x2b: {  	[sflag:s20] =	ssyncset.done $0x0  }
0x2c: {  	s30 =	simm.s32 $0x100;
	[sflag:s20] =	ssyncadd.s32 $0xFFFFC000  }
0x2d: {  	[tilespmem:s17], [sflag:$0x1] =	stream.indirect.gather [hbm4b:s4+s16], $0x80, s30, s16, $0xb8;
	[tilespmem:$0x1E800] =	vst v63  }
0x2e: {  	s31 =	simm.s32 $0x1480  }
0x2f: {  	[spmem:s1] =	stream.indirect.scatter.add.f32 [tilespmem:s19], [sflag:$0x3], $0x80, s31, s16, $0xb8;
	[tilespmem:$0x1E800] =	vst v63  }
0x30: {  	_ =	swait.ge [sflag:s14], $0x4000  }
0x31: {  	s25 =	simm.s32 $0x400;
	[sflag:s14] =	ssyncset.done $0x0  }
.LBB2_2:
0x32: {  	p0 =	sne.s32 s25, $0x4800  }
0x33: {  	[sflag:s14] =	ssyncadd.s32 $0xFFFFC000;
	s26 =	smov.u32 s25;
	s25 =	sadd.s32 $0x400, s25  }
0x34: {  	_ = 	snop  }
0x35: {  	_ =	swait.ge [sflag:s18], $0x4000  }
0x36: {  	s26 =	sshra.s32 s26, $0x2;
	[sflag:s18] =	ssyncset.done $0x0  }
0x37: {  	s28 =	sadd.s32 $0x80, s26;
	[sflag:s18] =	ssyncadd.s32 $0xFFFFC000  }
0x38: {  	[tilespmem:s19], [sflag:$0x2] =	stream.indirect.gather [hbm4b:s4+s16], $0x80, s28, s16, $0xb8;
	[tilespmem:$0x1E800] =	vst v63  }
0x39: {  	s28 =	sadd.s32 $0x1400, s26  }
0x3a: {  	[spmem:s1] =	stream.indirect.scatter.add.f32 [tilespmem:s17], [sflag:$0x3], $0x80, s28, s16, $0xb8;
	[tilespmem:$0x1E800] =	vst v63  }
0x3b: {  	_ =	swait.ge [sflag:s14], $0x4000  }
0x3c: {  	[sflag:s14] =	ssyncset.done $0x0  }
0x3d: {  	[sflag:s14] =	ssyncadd.s32 $0xFFFFC000  }
0x3e: {  	_ =	swait.ge [sflag:s20], $0x4000  }
0x3f: {  	[sflag:s20] =	ssyncset.done $0x0  }
0x40: {  	s28 =	sadd.s32 $0x100, s26;
	[sflag:s20] =	ssyncadd.s32 $0xFFFFC000  }
0x41: {  	[tilespmem:s17], [sflag:$0x1] =	stream.indirect.gather [hbm4b:s4+s16], $0x80, s28, s16, $0xb8;
	[tilespmem:$0x1E800] =	vst v63  }
.Ltmp0:
0x42: {  	_ = 	snop;
	(pc) =	sbr.rel @p0 .LBB2_2-.Ltmp0, $4  }
0x43: {  	s26 =	sadd.s32 $0x1480, s26  }
0x44: {  	[spmem:s1] =	stream.indirect.scatter.add.f32 [tilespmem:s19], [sflag:$0x3], $0x80, s26, s16, $0xb8;
	[tilespmem:$0x1E800] =	vst v63  }
0x45: {  	_ =	swait.ge [sflag:s14], $0x4000  }
0x46: {  	[sflag:s14] =	ssyncset.done $0x0  }
0x47: {  	[sflag:s14] =	ssyncadd.s32 $0xFFFFC000  }
0x48: {  	_ =	swait.ge [sflag:s18], $0x4000  }
0x49: {  	[sflag:s18] =	ssyncset.done $0x0  }
0x4a: {  	[sflag:s18] =	ssyncadd.s32 $0xFFFFC000  }
0x4b: {  	[tilespmem:s19], [sflag:$0x2] =	stream.indirect.gather [hbm4b:s4+s16], $0x80, s21, s16, $0xb8;
	[tilespmem:$0x1E800] =	vst v63  }
0x4c: {  	_ = 	snop  }
0x4d: {  	[spmem:s1] =	stream.indirect.scatter.add.f32 [tilespmem:s17], [sflag:$0x3], $0x80, s22, s16, $0xb8;
	[tilespmem:$0x1E800] =	vst v63  }
0x4e: {  	_ =	swait.ge [sflag:s14], $0x4000  }
0x4f: {  	[sflag:s14] =	ssyncset.done $0x0  }
0x50: {  	[sflag:s14] =	ssyncadd.s32 $0xFFFFC000  }
0x51: {  	_ =	swait.ge [sflag:s20], $0x4000  }
0x52: {  	[sflag:s20] =	ssyncset.done $0x0  }
0x53: {  	[sflag:s20] =	ssyncadd.s32 $0xFFFFC000  }
0x54: {  	[spmem:s1] =	stream.indirect.scatter.add.f32 [tilespmem:s19], [sflag:$0x3], $0x80, s23, s16, $0xb8;
	[tilespmem:$0x1E800] =	vst v63  }
0x55: {  	_ =	swait.ge [sflag:s14], $0x4000  }
0x56: {  	[sflag:s14] =	ssyncset.done $0x0  }
0x57: {  	s25 =	simm.s32 $0x0;
	[sflag:s14] =	ssyncadd.s32 $0xFFFFC000  }
0x58: {  	[tilespmem:s25], [sflag:$0x3] =	stream.linear.gather [hbm4b:s9+s25], $0x1400, $0x38;
	[tilespmem:$0x1E800] =	vst v63  }
0x59: {  	_ =	swait.ge [sflag:s14], $0x1400  }
0x5a: {  	[sflag:s14] =	ssyncset.done $0x0  }
0x5b: {  	[sflag:s14] =	ssyncadd.s32 $0xFFFFEC00  }
0x5c: {  	[tilespmem:s15], [sflag:$0x3] =	stream.linear.gather [hbm4b:s10+s25], $0x1400, $0x38;
	[tilespmem:$0x1E800] =	vst v63  }
0x5d: {  	_ =	swait.ge [sflag:s14], $0x1400  }
0x5e: {  	[sflag:s14] =	ssyncset.done $0x0  }
0x5f: {  	[sflag:s14] =	ssyncadd.s32 $0xFFFFEC00  }
0x60: {  	[tilespmem:s17], [sflag:$0x1] =	stream.indirect.gather [hbm4b:s4+s16], $0x80, s25, s16, $0xb8;
	[tilespmem:$0x1E800] =	vst v63  }
0x61: {  	_ =	swait.ge [sflag:s18], $0x4000  }
0x62: {  	[sflag:s18] =	ssyncset.done $0x0  }
0x63: {  	s28 =	simm.s32 $0x80;
	[sflag:s18] =	ssyncadd.s32 $0xFFFFC000  }
0x64: {  	[tilespmem:s19], [sflag:$0x2] =	stream.indirect.gather [hbm4b:s4+s16], $0x80, s28, s16, $0xb8;
	[tilespmem:$0x1E800] =	vst v63  }
0x65: {  	s29 =	simm.s32 $0x1400  }
0x66: {  	[spmem:s1] =	stream.indirect.scatter.add.f32 [tilespmem:s17], [sflag:$0x3], $0x80, s29, s16, $0xb8;
	[tilespmem:$0x1E800] =	vst v63  }
0x67: {  	_ =	swait.ge [sflag:s14], $0x4000  }
0x68: {  	[sflag:s14] =	ssyncset.done $0x0  }
0x69: {  	[sflag:s14] =	ssyncadd.s32 $0xFFFFC000  }
0x6a: {  	_ =	swait.ge [sflag:s20], $0x4000  }
0x6b: {  	[sflag:s20] =	ssyncset.done $0x0  }
0x6c: {  	s30 =	simm.s32 $0x100;
	[sflag:s20] =	ssyncadd.s32 $0xFFFFC000  }
0x6d: {  	[tilespmem:s17], [sflag:$0x1] =	stream.indirect.gather [hbm4b:s4+s16], $0x80, s30, s16, $0xb8;
	[tilespmem:$0x1E800] =	vst v63  }
0x6e: {  	s31 =	simm.s32 $0x1480  }
0x6f: {  	[spmem:s1] =	stream.indirect.scatter.add.f32 [tilespmem:s19], [sflag:$0x3], $0x80, s31, s16, $0xb8;
	[tilespmem:$0x1E800] =	vst v63  }
0x70: {  	_ =	swait.ge [sflag:s14], $0x4000  }
0x71: {  	s25 =	simm.s32 $0x400;
	[sflag:s14] =	ssyncset.done $0x0  }
.LBB2_4:
0x72: {  	p0 =	sne.s32 s25, $0x4800  }
0x73: {  	[sflag:s14] =	ssyncadd.s32 $0xFFFFC000;
	s26 =	smov.u32 s25;
	s25 =	sadd.s32 $0x400, s25  }
0x74: {  	_ = 	snop  }
0x75: {  	_ =	swait.ge [sflag:s18], $0x4000  }
0x76: {  	s26 =	sshra.s32 s26, $0x2;
	[sflag:s18] =	ssyncset.done $0x0  }
0x77: {  	s28 =	sadd.s32 $0x80, s26;
	[sflag:s18] =	ssyncadd.s32 $0xFFFFC000  }
0x78: {  	[tilespmem:s19], [sflag:$0x2] =	stream.indirect.gather [hbm4b:s4+s16], $0x80, s28, s16, $0xb8;
	[tilespmem:$0x1E800] =	vst v63  }
0x79: {  	s28 =	sadd.s32 $0x1400, s26  }
0x7a: {  	[spmem:s1] =	stream.indirect.scatter.add.f32 [tilespmem:s17], [sflag:$0x3], $0x80, s28, s16, $0xb8;
	[tilespmem:$0x1E800] =	vst v63  }
0x7b: {  	_ =	swait.ge [sflag:s14], $0x4000  }
0x7c: {  	[sflag:s14] =	ssyncset.done $0x0  }
0x7d: {  	[sflag:s14] =	ssyncadd.s32 $0xFFFFC000  }
0x7e: {  	_ =	swait.ge [sflag:s20], $0x4000  }
0x7f: {  	[sflag:s20] =	ssyncset.done $0x0  }
0x80: {  	s28 =	sadd.s32 $0x100, s26;
	[sflag:s20] =	ssyncadd.s32 $0xFFFFC000  }
0x81: {  	[tilespmem:s17], [sflag:$0x1] =	stream.indirect.gather [hbm4b:s4+s16], $0x80, s28, s16, $0xb8;
	[tilespmem:$0x1E800] =	vst v63  }
.Ltmp1:
0x82: {  	_ = 	snop;
	(pc) =	sbr.rel @p0 .LBB2_4-.Ltmp1, $4  }
0x83: {  	s26 =	sadd.s32 $0x1480, s26  }
0x84: {  	[spmem:s1] =	stream.indirect.scatter.add.f32 [tilespmem:s19], [sflag:$0x3], $0x80, s26, s16, $0xb8;
	[tilespmem:$0x1E800] =	vst v63  }
0x85: {  	_ =	swait.ge [sflag:s14], $0x4000  }
0x86: {  	[sflag:s14] =	ssyncset.done $0x0  }
0x87: {  	[sflag:s14] =	ssyncadd.s32 $0xFFFFC000  }
0x88: {  	_ =	swait.ge [sflag:s18], $0x4000  }
0x89: {  	[sflag:s18] =	ssyncset.done $0x0  }
0x8a: {  	[sflag:s18] =	ssyncadd.s32 $0xFFFFC000  }
0x8b: {  	[tilespmem:s19], [sflag:$0x2] =	stream.indirect.gather [hbm4b:s4+s16], $0x80, s21, s16, $0xb8;
	[tilespmem:$0x1E800] =	vst v63  }
0x8c: {  	_ = 	snop  }
0x8d: {  	[spmem:s1] =	stream.indirect.scatter.add.f32 [tilespmem:s17], [sflag:$0x3], $0x80, s22, s16, $0xb8;
	[tilespmem:$0x1E800] =	vst v63  }
0x8e: {  	_ =	swait.ge [sflag:s14], $0x4000  }
0x8f: {  	[sflag:s14] =	ssyncset.done $0x0  }
0x90: {  	[sflag:s14] =	ssyncadd.s32 $0xFFFFC000  }
0x91: {  	_ =	swait.ge [sflag:s20], $0x4000  }
0x92: {  	[sflag:s20] =	ssyncset.done $0x0  }
0x93: {  	[sflag:s20] =	ssyncadd.s32 $0xFFFFC000  }
0x94: {  	[spmem:s1] =	stream.indirect.scatter.add.f32 [tilespmem:s19], [sflag:$0x3], $0x80, s23, s16, $0xb8;
	[tilespmem:$0x1E800] =	vst v63  }
0x95: {  	_ =	swait.ge [sflag:s14], $0x4000  }
0x96: {  	s24 =	sadd.s32 $0x1, s24;
	[sflag:s14] =	ssyncset.done $0x0  }
0x97: {  	p0 =	sne.s32 s24, s12;
	[sflag:s14] =	ssyncadd.s32 $0xFFFFC000  }
.Ltmp2:
0x98: {  	[bflag:$0x0] =	sbarrier.arrive $0xFFFF;
	(pc) =	sbr.rel @p0 .LBB2_1-.Ltmp2, $4  }
0x99: {  	[hbm:s11], [sflag:s6] =	dma.local [spmem:s13], $0x2800  }
0x9a: {  	_ =	swait.ge [sflag:s14], $0x2800  }
0x9b: {  	[sflag:s14] =	ssyncset.done $0x0  }
0x9c: {  	[sflag:s14] =	ssyncadd.s32 $0xFFFFD800  }
0x9d: {  	_ =	sfence.sel $0x180000  }
0x9e: {  	[bflag:$0x0] =	sbarrier.arrive $0xFFFF  }
0x9f: {  	p0 =	sne.s32 s2, $0x0;
	_ =	strace $0x9000004D  }
0xa0: {  	s0 =	sadd.s32 @!p0 $0x100000, s0;
	[bflag:$0x2] =	sbarrier.arrive $0xFFFF  }
0xa1: {  	[sflag:s0] =	ssyncadd.tile.s32 @!p0 $0x1;
	_ =	shalt  }
.Lfunc_end2:
_tile_overlayer_lowered:
.L_overlay_start_2:
0xa2: {  	(tag) =	ssettag $0x2  }
0xa3: {  	s0 =	rddreg [dreg:$0x0];
	s2 =	stileid.u32  }
0xa4: {  	s1 =	rddreg [dreg:$0x1];
	p0 =	sne.s32 s2, $0x0  }
0xa5: {  	s3 =	rddreg [dreg:$0x2];
	[bflag:$0x3] =	sbarrier.arrive $0xFFFF;
	s2 =	simm.s32 @!p0 $0x1C03  }
0xa6: {  	[timem:s3], [sflag:s2] =	dma.local @!p0 [hbm:s0], s1  }
0xa7: {  	s0 =	simm.s32 @!p0 $0x3  }
0xa8: {  	_ =	swait.ge @!p0 [sflag:s0], s1  }
0xa9: {  	s1 =	ssub.s32 @!p0 $0x0, s1;
	[sflag:s0] =	ssyncset.done @!p0 $0x0  }
0xaa: {  	[sflag:s0] =	ssyncadd.s32 @!p0 s1  }
0xab: {  	[bflag:$0x3] =	sbarrier.arrive $0xFFFF  }
0xac: {  	_ =	shalt  }

// kernel: kernel.8.cloned.1.call-start
scs
__scs_entry_jumppad:
0x0: {  	(pc) =	sbr.rel $0x88, $3  }
0x1: {  	(tag) =	ssettag $0x0;
	lr =	simm.s32 $0x1  }
0x2: {  	[smem:$0x3F96] =	sst lr;
	_ =	strace $0xD0000000  }
0x3: {  	_ = 	snop  }
0x4: {  	_ = 	snop  }
0x5: {  	_ = 	snop  }
0x6: {  	_ = 	snop  }
0x7: {  	_ = 	snop  }
__scs_overlays_trampoline_lowered:
0x8: {  	[smem:$0x3FA5] =	sst s0  }
0x9: {  	[smem:$0x3FA6] =	sst s1  }
0xa: {  	[smem:$0x3FA7] =	sst s2  }
0xb: {  	[smem:$0x3FA8] =	sst s3  }
0xc: {  	[smem:$0x3FA9] =	sst s4  }
0xd: {  	[smem:$0x3FAA] =	sst s5  }
0xe: {  	[smem:$0x3FAB] =	sst s6  }
0xf: {  	[smem:$0x3FAC] =	sst s7  }
0x10: {  	[smem:$0x3FAD] =	sst s8  }
0x11: {  	[smem:$0x3FAE] =	sst s9;
	s0 =	simm.s32 @!p0 $0x0  }
0x12: {  	s1 =	sld [smem:$0x3F94];
	s0 =	simm.s32 @p0 $0x1  }
0x13: {  	[smem:$0x3FAF] =	sst s0;
	s0 =	simm.s32 @!p1 $0x0  }
0x14: {  	s2 =	sld [smem:$0x3F93];
	s0 =	simm.s32 @p1 $0x1  }
0x15: {  	[smem:$0x3FB0] =	sst s0;
	s0 =	simm.s32 @!p2 $0x0  }
0x16: {  	s3 =	sld [smem:$0x3FDB];
	s0 =	simm.s32 @p2 $0x1  }
0x17: {  	s4 =	simm.s32 $0x1BF5;
	[smem:$0x3FB2] =	sst s0  }
0x18: {  	s0 =	sld [smem:$0x3F95];
	_ =	swait.ge [sflag:s4], $0x0  }
0x19: {  	s7 =	sld [smem:$0x3F96]  }
0x1a: {  	s8 =	sadd.s32 $0xFFFFE003, lr  }
0x1b: {  	s9 =	sadd.s32 $0xFFFFFEF7, lr;
	s5 =	simm.s32 $0xFFFFFFFF;
	p2 =	slt.u32 s8, $0xFFFFF086  }
0x1c: {  	p1 =	slt.u32 s9, $0xF7A;
	s5 =	simm.s32 @!p2 $0x0  }
0x1d: {  	s5 =	simm.s32 @p1 $0x1;
	p0 =	seq.s32 s7, s2  }
0x1e: {  	s7 =	smul.u32 @!p0 $0xF7A, s2;
	p2 =	seq.s32 @!p0 s5, $0x0  }
0x1f: {  	s9 =	smul.u32 $0xF7A, s1;
	s8 =	simm.s32 @!p0 $0x1BF5;
	p2 =	por !p2, p0  }
0x20: {  	[sflag:s8] =	ssyncset.s32 @!p0 $0xFFFFF086;
	s6 =	sadd.s32 @!p0 s3, s7;
	s7 =	simm.s32 @!p0 $0x108  }
0x21: {  	s3 =	sadd.s32 s3, s9;
	s6 =	sadd.s32 @!p0 $0x88, s6;
	s7 =	simm.s32 @p2 $0x1082  }
0x22: {  	[simem:s7], [sflag:s8] =	dma.local @!p0 [hbm:s6], $0xF7A  }
0x23: {  	s9 =	sor.u32 $0xD0000000, s2;
	s6 =	simm.s32 $0x108;
	_ =	swait.ge @!p0 [sflag:s8], $0x0  }
0x24: {  	s3 =	sadd.s32 $0x88, s3;
	s6 =	simm.s32 @!p1 $0x1082;
	[sflag:s4] =	ssyncset.s32 $0xFFFFF086  }
0x25: {  	[simem:s6], [sflag:s4] =	dma.local [hbm:s3], $0xF7A  }
0x26: {  	[smem:$0x3F96] =	sst s1;
	(tag) =	ssettag s2;
	_ =	strace s9  }
0x27: {  	s1 =	sld [smem:$0x3FA6]  }
0x28: {  	s2 =	sld [smem:$0x3FA7]  }
0x29: {  	s4 =	sld [smem:$0x3FA9]  }
0x2a: {  	p0 =	seq.s32 s5, $0x0;
	s5 =	sld [smem:$0x3FAA]  }
0x2b: {  	s6 =	sld [smem:$0x3FAB]  }
0x2c: {  	s7 =	sld [smem:$0x3FAC]  }
0x2d: {  	s3 =	simm.s32 $0x108;
	s8 =	sld [smem:$0x3FAD]  }
0x2e: {  	s3 =	simm.s32 @!p0 $0x1082;
	s9 =	sld [smem:$0x3FAE]  }
0x2f: {  	lr =	sadd.s32 s0, s3;
	s0 =	sld [smem:$0x3FA5]  }
0x30: {  	s3 =	sld [smem:$0x3FA8]  }
0x31: {  	[smem:$0x3FB1] =	sst s10  }
0x32: {  	s10 =	sld [smem:$0x3FAF];
	_ =	sdelay $0x3  }
0x33: {  	p0 =	seq.s32 s10, $0x1;
	s10 =	sld [smem:$0x3FB1];
	_ =	sdelay $0x3  }
0x34: {  	[smem:$0x3FB1] =	sst s10  }
0x35: {  	s10 =	sld [smem:$0x3FB0];
	_ =	sdelay $0x3  }
0x36: {  	p1 =	seq.s32 s10, $0x1;
	s10 =	sld [smem:$0x3FB1];
	_ =	sdelay $0x3  }
0x37: {  	[smem:$0x3FB1] =	sst s10  }
0x38: {  	s10 =	sld [smem:$0x3FB2]  }
0x39: {  	_ = 	snop;
	(pc) =	sbr.ind lr, $3  }
0x3a: {  	_ = 	snop  }
0x3b: {  	_ = 	snop  }
0x3c: {  	p2 =	seq.s32 s10, $0x1;
	s10 =	sld [smem:$0x3FB1]  }
0x3d: {  	_ =	shalt  }
0x3e: {  	_ =	shalt  }
0x3f: {  	_ =	shalt  }
0x40: {  	_ =	shalt  }
0x41: {  	_ =	shalt  }
0x42: {  	_ =	shalt  }
0x43: {  	_ =	shalt  }
0x44: {  	_ =	shalt  }
0x45: {  	_ =	shalt  }
0x46: {  	_ =	shalt  }
0x47: {  	_ =	shalt  }
0x48: {  	_ =	shalt  }
0x49: {  	_ =	shalt  }
0x4a: {  	_ =	shalt  }
0x4b: {  	_ =	shalt  }
0x4c: {  	_ =	shalt  }
0x4d: {  	_ =	shalt  }
0x4e: {  	_ =	shalt  }
0x4f: {  	_ =	shalt  }
0x50: {  	_ =	shalt  }
0x51: {  	_ =	shalt  }
0x52: {  	_ =	shalt  }
0x53: {  	_ =	shalt  }
0x54: {  	_ =	shalt  }
0x55: {  	_ =	shalt  }
0x56: {  	_ =	shalt  }
0x57: {  	_ =	shalt  }
0x58: {  	_ =	shalt  }
0x59: {  	_ =	shalt  }
0x5a: {  	_ =	shalt  }
0x5b: {  	_ =	shalt  }
0x5c: {  	_ =	shalt  }
0x5d: {  	_ =	shalt  }
0x5e: {  	_ =	shalt  }
0x5f: {  	_ =	shalt  }
0x60: {  	_ =	shalt  }
0x61: {  	_ =	shalt  }
0x62: {  	_ =	shalt  }
0x63: {  	_ =	shalt  }
0x64: {  	_ =	shalt  }
0x65: {  	_ =	shalt  }
0x66: {  	_ =	shalt  }
0x67: {  	_ =	shalt  }
0x68: {  	_ =	shalt  }
0x69: {  	_ =	shalt  }
0x6a: {  	_ =	shalt  }
0x6b: {  	_ =	shalt  }
0x6c: {  	_ =	shalt  }
0x6d: {  	_ =	shalt  }
0x6e: {  	_ =	shalt  }
0x6f: {  	_ =	shalt  }
0x70: {  	_ =	shalt  }
0x71: {  	_ =	shalt  }
0x72: {  	_ =	shalt  }
0x73: {  	_ =	shalt  }
0x74: {  	_ =	shalt  }
0x75: {  	_ =	shalt  }
0x76: {  	_ =	shalt  }
0x77: {  	_ =	shalt  }
0x78: {  	_ =	shalt  }
0x79: {  	_ =	shalt  }
0x7a: {  	_ =	shalt  }
0x7b: {  	_ =	shalt  }
0x7c: {  	_ =	shalt  }
0x7d: {  	_ =	shalt  }
0x7e: {  	_ =	shalt  }
0x7f: {  	_ =	shalt  }
0x80: {  	_ =	shalt  }
0x81: {  	_ =	shalt  }
0x82: {  	_ =	shalt  }
0x83: {  	_ =	shalt  }
0x84: {  	_ =	shalt  }
0x85: {  	_ =	shalt  }
0x86: {  	_ =	shalt  }
0x87: {  	_ =	shalt  }
.Lfunc_end0:
.L_simem_size_0:
called_computation_lowered:
.L_overlay_start_0:
0x88: {  	s2 =	sld [smem:$0x3FD9]  }
0x89: {  	s3 =	sld [smem:$0x3FFE];
	_ =	sdelay $0x1  }
0x8a: {  	s1 =	srdreg.scid  }
0x8b: {  	s0 =	sand.u32 $0x1, s1  }
0x8c: {  	s17 =	sshll.u32 s0, $0xA;
	s2 =	sadd.s32 s3, s2  }
0x8d: {  	s2 =	sadd.s32 s2, s17  }
0x8e: {  	[smem:$0x3FBD] =	sst s2  }
0x8f: {  	_ = 	snop  }
0x90: {  	s2 =	sld [smem:$0x3FD0];
	(tm) =	ssettm $0x1  }
0x91: {  	s18 =	sld [smem:$0x3FFB];
	_ =	sdelay $0x3  }
0x92: {  	_ =	strace s18  }
0x93: {  	s3 =	sld [smem:$0x3FFC];
	_ =	sdelay $0x3  }
0x94: {  	_ =	strace s3  }
0x95: {  	s3 =	sld [smem:$0x3FFD];
	_ =	sdelay $0x3  }
0x96: {  	_ =	strace s3  }
0x97: {  	_ =	strace $0x8FFFFFFF  }
0x98: {  	s19 =	sld [smem:$0x3FDB];
	_ =	sdelay $0x1  }
0x99: {  	s4 =	simm.s32 $_scs_section_size  }
0x9a: {  	s5 =	simm.s32 $_size__tile_overlayer_lowered;
	s6 =	simm.s32 $_tile_overlayer_lowered  }
0x9b: {  	s22 =	simm.s32 $0x1BFF;
	s21 =	sshll.u32 s6, $0x1;
	s3 =	sadd.s32 s4, s19  }
0x9c: {  	s7 =	simm.s32 $0x0;
	s20 =	sshll.u32 s5, $0x1;
	s5 =	sadd.s32 s21, s3  }
0x9d: {  	[timem:s7], [sflag:s22] =	dma.local [hbm:s5], s20  }
0x9e: {  	_ =	swait.ge [sflag:s22], s20  }
0x9f: {  	s4 =	ssub.s32 $0x0, s20;
	[sflag:s22] =	ssyncset.done $0x0  }
0xa0: {  	[sflag:s22] =	ssyncadd.s32 s4;
	_ =	sdelay $0x1  }
0xa1: {  	s23 =	simm.s32 $0x1B8B  }
0xa2: {  	_ =	swait.ge [sflag:s23], $0x1  }
0xa3: {  	[sflag:s23] =	ssyncset.done $0x0  }
0xa4: {  	s25 =	simm.s32 $0x1B8E;
	s24 =	sld [smem:$0x3FFE];
	[sflag:s23] =	ssyncadd.s32 $0xFFFFFFFF  }
0xa5: {  	s26 =	simm.s32 $execute0_lowered;
	[smem:$0x3FD2] =	sst s25  }
0xa6: {  	s5 =	sshll.u32 s26, $0x1;
	_ =	strace $0x80000046;
	[dreg:$0x1] =	wrdreg $0xFFFFFFFF  }
0xa7: {  	s28 =	simm.s32 $_size_execute0_lowered;
	s3 =	sadd.s32 s3, s5;
	[dreg:$0x0] =	wrdreg $0x0  }
0xa8: {  	s5 =	sshll.u32 s28, $0x1;
	[dreg:$0x2] =	wrdreg s3  }
0xa9: {  	[dreg:$0x3] =	wrdreg s5  }
0xaa: {  	[dreg:$0x4] =	wrdreg $0xC0  }
0xab: {  	_ =	task [dreg:s7], $0x5FFFF  }
0xac: {  	[dreg:$0x1] =	wrdreg $0xFFFFFFFF  }
0xad: {  	[dreg:$0x0] =	wrdreg $0x60  }
0xae: {  	[dreg:$0x2] =	wrdreg s24  }
0xaf: {  	[dreg:$0x3] =	wrdreg s2  }
0xb0: {  	[dreg:$0x4] =	wrdreg $0x28800  }
0xb1: {  	[dreg:$0x5] =	wrdreg $0x9  }
0xb2: {  	_ =	task.clear_ibuf [dreg:s7], $0x6FFFF;
	_ =	strace $0x90000046  }
0xb3: {  	s29 =	simm.s32 $0x9;
	_ =	strace $0x80000048  }
0xb4: {  	_ =	swait.ge [sflag:s29], $0x1  }
0xb5: {  	[sflag:s29] =	ssyncadd.s32 $0xFFFFFFFF  }
0xb6: {  	_ =	strace $0x90000048  }
0xb7: {  	_ =	sfence  }
0xb8: {  	s30 =	sld [smem:$0x0];
	_ =	sdelay $0x2  }
0xb9: {  	s31 =	sshll.u32 s1, $0xD;
	s1 =	sshrl.u32 s1, $0x2  }
0xba: {  	s3 =	sand.u32 $0x4000, s31;
	s1 =	sadd.s32 s1, s30  }
0xbb: {  	s0 =	sor.u32 s3, s0;
	s1 =	sshll.u32 s1, $0x11  }
0xbc: {  	s0 =	sor.u32 s1, s0  }
0xbd: {  	s0 =	sadd.s32 $0x8F2B, s0  }
0xbe: {  	[sflag:s0] =	ssyncadd.remote.s32 $0x1  }
0xbf: {  	_ =	sfence.sel $0xFFFF  }
0xc0: {  	[dreg:$0x0] =	wrdreg $0xFFFFFFFF;
	(pc) =	sbr.abs _section_cstart, $3  }
0xc1: {  	[dreg:$0x1] =	wrdreg $0xFFFFFFFF  }
0xc2: {  	_ =	task.clear_ibuf [dreg:s7], $0x2FFFF;
	_ =	strace $0x9FFFFFFF  }
0xc3: {  	(tm) =	ssettm $0x7FFFFFFF  }
tec
execute0_lowered:
.L_overlay_start_1:
0x0: {  	(tag) =	ssettag $0x1  }
0x1: {  	s7 =	rddreg [dreg:$0x0]  }
0x2: {  	s0 =	srdreg.scid;
	s2 =	rddreg [dreg:$0x1]  }
0x3: {  	s3 =	rddreg [dreg:$0x2];
	s1 =	stileid.u32  }
0x4: {  	s4 =	simm.s32 $0x0;
	s6 =	sand.u32 $0x1, s0;
	s0 =	rddreg [dreg:$0x3]  }
0x5: {  	s12 =	simm.s32 $0x18200;
	s14 =	simm.s32 $0x0;
	[smem:$0x7FF] =	sst s4  }
0x6: {  	s11 =	smul.u32 $0x280, s1;
	s31 =	sshll.u32 s1, $0x6;
	s5 =	sshll.u32 s6, $0x4  }
0x7: {  	_ =	strace $0x80000047;
	s8 =	ssub.s32 $0x2, s6;
	p0 =	seq.s32 s6, $0x1  }
0x8: {  	s5 =	sor.u32 s1, s5;
	s10 =	sshrl.u32 s8, $0x1;
	s12 =	simm.s32 @!p0 $0x17C00  }
0x9: {  	s13 =	sadd.s32 s11, s3;
	s29 =	sshrl.u32 s11, $0x3;
	s11 =	sor.u32 $0x1C01, s31  }
0xa: {  	s5 =	smul.u32 $0x500, s5;
	s8 =	ssub.s32 s8, s10;
	s30 =	sadd.s32 s12, s7  }
0xb: {  	s10 =	simm.s32 $0x2800;
	s12 =	sshrl.u32 s13, $0x3;
	s13 =	simm.s32 $0x80  }
0xc: {  	s9 =	sadd.s32 s5, s7;
	s5 =	sadd.s32 $0x17A00, s7;
	s7 =	smax.u32 s8, $0x1  }
0xd: {  	s8 =	sadd.s32 s30, s29;
	s6 =	sadd.s32 $0x3A00, s9;
	s9 =	simm.s32 $0x1  }
.LBB2_1:
0xe: {  	[tilespmem:s4], [sflag:$0x1] =	stream.linear.gather [hbm4b:s6+s4], $0x2800, $0x38;
	[tilespmem:$0x2B00] =	vst v63  }
0xf: {  	_ =	swait.ge [sflag:s9], $0x2800  }
0x10: {  	[sflag:s9] =	ssyncset.done $0x0  }
0x11: {  	[sflag:s9] =	ssyncadd.s32 $0xFFFFD800  }
0x12: {  	[tilespmem:s10], [sflag:$0x1] =	stream.linear.gather [hbm4b:s5+s4], $0x80, $0x38;
	[tilespmem:$0x2B00] =	vst v63  }
0x13: {  	_ =	swait.ge [sflag:s9], $0x80  }
0x14: {  	[sflag:s9] =	ssyncset.done $0x0  }
0x15: {  	[sflag:s9] =	ssyncadd.s32 $0xFFFFFF80  }
0x16: {  	[spmem:s12], [sflag:s11] =	dma.local [hbm:s2], $0x50  }
0x17: {  	_ =	swait.ge [sflag:s9], $0x50  }
0x18: {  	[sflag:s9] =	ssyncset.done $0x0  }
0x19: {  	[sflag:s9] =	ssyncadd.s32 $0xFFFFFFB0  }
0x1a: {  	s15 =	simm.s32 $0x0;
	[bflag:$0x0] =	sbarrier.arrive $0xFFFF  }
0x1b: {  	[spmem:s3] =	stream.indirect.scatter.add.f32 [tilespmem:s10], [sflag:$0x1], $0x1, s15, s13, $0xb8;
	[tilespmem:$0x2B00] =	vst v63  }
0x1c: {  	_ =	swait.ge [sflag:s9], $0x80  }
0x1d: {  	s15 =	simm.s32 $0x200;
	[sflag:s9] =	ssyncset.done $0x0  }
.LBB2_2:
0x1e: {  	s16 =	sshra.s32 s15, $0x2;
	[sflag:s9] =	ssyncadd.s32 $0xFFFFFF80;
	p0 =	sne.s32 s15, $0x9E00  }
0x1f: {  	[spmem:s3] =	stream.indirect.scatter.add.f32 [tilespmem:s10], [sflag:$0x1], $0x1, s16, s13, $0xb8;
	[tilespmem:$0x2B00] =	vst v63  }
.Ltmp0:
0x20: {  	_ = 	snop;
	(pc) =	sbr.rel @p0 .LBB2_2-.Ltmp0, $4  }
0x21: {  	_ = 	snop  }
0x22: {  	s15 =	sadd.s32 $0x200, s15  }
0x23: {  	_ =	swait.ge [sflag:s9], $0x80  }
0x24: {  	[sflag:s9] =	ssyncset.done $0x0  }
0x25: {  	s14 =	sadd.s32 $0x1, s14  }
0x26: {  	[sflag:s9] =	ssyncadd.s32 $0xFFFFFF80;
	p0 =	sne.s32 s14, s7  }
.Ltmp1:
0x27: {  	[bflag:$0x0] =	sbarrier.arrive $0xFFFF;
	(pc) =	sbr.rel @p0 .LBB2_1-.Ltmp1, $4  }
0x28: {  	[hbm:s8], [sflag:s11] =	dma.local [spmem:s12], $0x50  }
0x29: {  	_ =	swait.ge [sflag:s9], $0x50  }
0x2a: {  	[sflag:s9] =	ssyncset.done $0x0  }
0x2b: {  	[sflag:s9] =	ssyncadd.s32 $0xFFFFFFB0  }
0x2c: {  	_ =	sfence.sel $0x180000  }
0x2d: {  	[bflag:$0x0] =	sbarrier.arrive $0xFFFF  }
0x2e: {  	p0 =	sne.s32 s1, $0x0;
	_ =	strace $0x90000047  }
0x2f: {  	s0 =	sadd.s32 @!p0 $0x100000, s0;
	[bflag:$0x2] =	sbarrier.arrive $0xFFFF  }
0x30: {  	[sflag:s0] =	ssyncadd.tile.s32 @!p0 $0x1;
	_ =	shalt  }
.Lfunc_end2:
_tile_overlayer_lowered:
.L_overlay_start_2:
0x31: {  	(tag) =	ssettag $0x2  }
0x32: {  	s0 =	rddreg [dreg:$0x0];
	s2 =	stileid.u32  }
0x33: {  	s1 =	rddreg [dreg:$0x1];
	p0 =	sne.s32 s2, $0x0  }
0x34: {  	s3 =	rddreg [dreg:$0x2];
	[bflag:$0x3] =	sbarrier.arrive $0xFFFF;
	s2 =	simm.s32 @!p0 $0x1C01  }
0x35: {  	[timem:s3], [sflag:s2] =	dma.local @!p0 [hbm:s0], s1  }
0x36: {  	s0 =	simm.s32 @!p0 $0x1  }
0x37: {  	_ =	swait.ge @!p0 [sflag:s0], s1  }
0x38: {  	s1 =	ssub.s32 @!p0 $0x0, s1;
	[sflag:s0] =	ssyncset.done @!p0 $0x0  }
0x39: {  	[sflag:s0] =	ssyncadd.s32 @!p0 s1  }
0x3a: {  	[bflag:$0x3] =	sbarrier.arrive $0xFFFF  }
0x3b: {  	_ =	shalt  }

</sc_bundles>
